<compile_context>
chip_gen: v7x
topology: tpu7x:2x2x1
jax: 0.10.2.dev20260603
libtpu: 0.0.44.dev20260713+nightly
codegen_flags: <defaults>
</compile_context>

<pallas_src>
import functools

import jax
import jax.numpy as jnp
from jax import lax
from jax.experimental import pallas as pl
from jax.experimental.pallas import tpu as pltpu
from jax.experimental.pallas import tpu_sc as plsc

_LANES = 16


@functools.lru_cache(maxsize=None)
def _build(B, T, D, NC, NS):
    NW = NC * NS
    BW = B // NW
    RPS = 128
    NCHK = BW // RPS
    OT = T + 1
    NSTEP = OT * NCHK
    KD = D // _LANES
    mesh = plsc.VectorSubcoreMesh(core_axis_name="c", subcore_axis_name="s")

    @functools.partial(
        pl.kernel,
        out_type=jax.ShapeDtypeStruct((OT * B, D), jnp.float32),
        mesh=mesh,
        scratch_types=[
            pltpu.VMEM((NCHK, RPS), jnp.int32),
            pltpu.VMEM((T * NCHK, RPS), jnp.int32),
            pltpu.VMEM((8, D), jnp.float32),
            pltpu.VMEM((8, D), jnp.float32),
            pltpu.VMEM((T, D), jnp.float32),
            pltpu.VMEM((NCHK, RPS, D), jnp.float32),
            pltpu.SemaphoreType.DMA,
            pltpu.SemaphoreType.DMA,
            pltpu.SemaphoreType.DMA,
            pltpu.SemaphoreType.DMA,
            pltpu.SemaphoreType.DMA,
            pltpu.SemaphoreType.DMA,
            pltpu.SemaphoreType.DMA,
            pltpu.SemaphoreType.DMA,
        ],
    )
    def emb_kernel(cidx_hbm, tidx_hbm, cat_tab, patch_tab, row_tab,
                   col_tab, out_hbm, cativ, tokiv, row_v, col_v, pos_v, gbuf,
                   g0, g1, g2, g3, w0, w1, w2, w3):
        gsem = (g0, g1, g2, g3)
        wsem = (w0, w1, w2, w3)
        wid = lax.axis_index("s") * NC + lax.axis_index("c")
        base = wid * BW

        pltpu.sync_copy(cidx_hbm.at[wid], cativ)
        pltpu.sync_copy(tidx_hbm.at[wid], tokiv)
        pltpu.sync_copy(row_tab, row_v)
        pltpu.sync_copy(col_tab, col_v)

        def posbody(t, carry):
            r = t // 8
            c = t % 8
            for kk in range(KD):
                s = pl.ds(kk * _LANES, _LANES)
                pos_v[t, s] = row_v[r, s] + col_v[c, s]
            return carry

        lax.fori_loop(0, T, posbody, 0)

        def issue_gather(j, p):
            @pl.when(j <= NCHK - 1)
            def _cat():
                pltpu.async_copy(
                    cat_tab.at[cativ.at[j]], gbuf.at[p], gsem[p])

            @pl.when(j >= NCHK)
            def _patch():
                pltpu.async_copy(
                    patch_tab.at[tokiv.at[j - NCHK]], gbuf.at[p], gsem[p])

        def wait_gather(p):
            pltpu.make_async_copy(
                patch_tab.at[tokiv.at[0]], gbuf.at[p], gsem[p]).wait()

        def wait_write(p):
            pltpu.make_async_copy(
                gbuf.at[p], out_hbm.at[pl.ds(0, RPS)], wsem[p]).wait()

        issue_gather(jnp.int32(0), 0)
        issue_gather(jnp.int32(1), 1)

        def iterbody(i, carry):
            for u in range(NCHK):
                j = NCHK * i + u
                wait_gather(u)

                u2 = (u + 2) % NCHK

                @pl.when(j >= 2)
                def _drain():
                    wait_write(u2)

                @pl.when(j <= NSTEP - 3)
                def _prefetch():
                    issue_gather(j + 2, u2)

                @pl.when(i >= 1)
                def _add():
                    posk = tuple(pos_v[i - 1, pl.ds(kk * _LANES, _LANES)]
                                 for kk in range(KD))

                    def addbody(r, pk):
                        for kk in range(KD):
                            s = pl.ds(kk * _LANES, _LANES)
                            gbuf[u, r, s] = gbuf[u, r, s] + pk[kk]
                        return pk

                    lax.fori_loop(0, RPS, addbody, posk)

                pltpu.async_copy(
                    gbuf.at[u],
                    out_hbm.at[pl.ds(i * B + base + u * RPS, RPS)],
                    wsem[u])
            return carry

        lax.fori_loop(0, OT, iterbody, 0)
        wait_write(2)
        wait_write(3)

    return emb_kernel


def kernel(cat_idx, tokens, category_embed, patch_embed, row_embed, col_embed):
    B, T = tokens.shape
    D = patch_embed.shape[1]
    info = plsc.get_sparse_core_info()
    NW = info.num_cores * info.num_subcores
    BW = B // NW
    NCHK = BW // 128
    catr = cat_idx.astype(jnp.int32).reshape(NW, NCHK, 128)
    tokr = (tokens.astype(jnp.int32)
            .reshape(NW, NCHK, 128, T)
            .transpose(0, 3, 1, 2)
            .reshape(NW, T * NCHK, 128))
    f = _build(B, T, D, info.num_cores, info.num_subcores)
    out2d = f(catr, tokr, category_embed, patch_embed, row_embed, col_embed)
    return out2d.reshape(T + 1, B, D).transpose(1, 0, 2)

# --- scband reference (transcript-rebuilt; emitter-appended) ---
"""Pipeline reference for scband-embeddings-10737418240368 (READ-ONLY COPY).

The authoritative reference and input builder live on the scoring server;
editing this copy changes nothing except your own understanding.
"""

import jax, jax.numpy as jnp
import numpy as np

N_CATEGORIES = 1000
VOCAB_SIZE = 1000000
D_MODEL = 128
B = 16384
T = 64


def setup_inputs(seed: int = 0) -> dict:
    key = jax.random.key(seed)
    k1, k2, k3, k4, k5, k6 = jax.random.split(key, 6)
    cat_idx = jax.random.randint(k1, (B,), 0, N_CATEGORIES, dtype=jnp.int64 if jax.config.jax_enable_x64 else jnp.int32)
    tokens = jax.random.randint(k2, (B, T), 0, VOCAB_SIZE, dtype=jnp.int64 if jax.config.jax_enable_x64 else jnp.int32)
    category_embed = jax.random.normal(k3, (N_CATEGORIES, D_MODEL), dtype=jnp.float32)
    patch_embed = jax.random.normal(k4, (VOCAB_SIZE, D_MODEL), dtype=jnp.float32)
    row_embed = jax.random.normal(k5, (8, D_MODEL), dtype=jnp.float32)
    col_embed = jax.random.normal(k6, (8, D_MODEL), dtype=jnp.float32)
    return {
        "cat_idx": cat_idx,
        "tokens": tokens,
        "category_embed": category_embed,
        "patch_embed": patch_embed,
        "row_embed": row_embed,
        "col_embed": col_embed,
    }


def reference(cat_idx, tokens, category_embed, patch_embed, row_embed, col_embed):
    # cat_emb: (B, 1, d_model)
    cat_emb = jnp.take(category_embed, cat_idx, axis=0)[:, None, :]
    if tokens.shape[1] == 0:
        return cat_emb
    # patch_emb: (B, T, d_model)
    patch_emb = jnp.take(patch_embed, tokens, axis=0)
    T_ = tokens.shape[1]
    pos = jnp.arange(T_)
    pos_emb = jnp.take(row_embed, pos // 8, axis=0) + jnp.take(col_embed, pos % 8, axis=0)
    patch_emb = patch_emb + pos_emb[None, :, :]
    return jnp.concatenate([cat_emb, patch_emb], axis=1)

if __name__ == "__main__":
    import jax
    _d = setup_inputs()
    print(jax.jit(kernel)(*tuple(_d.values())))

</pallas_src>

<mosaic_0001>
#map = affine_map<(d0, d1) -> (0, 0, 0)>
#map1 = affine_map<(d0, d1) -> (0, 0)>
module attributes {stable_mosaic.version = 14 : i64} {
  func.func @emb_kernel(%arg0: i32, %arg1: i32, %arg2: memref<32x4x128xi32, #tpu.memory_space<hbm>>, %arg3: memref<32x256x128xi32, #tpu.memory_space<hbm>>, %arg4: memref<1000x128xf32, #tpu.memory_space<hbm>>, %arg5: memref<1000000x128xf32, #tpu.memory_space<hbm>>, %arg6: memref<8x128xf32, #tpu.memory_space<hbm>>, %arg7: memref<8x128xf32, #tpu.memory_space<hbm>>, %arg8: memref<1064960x128xf32, #tpu.memory_space<hbm>>, %arg9: memref<4x128xi32, #tpu.memory_space<vmem>>, %arg10: memref<256x128xi32, #tpu.memory_space<vmem>>, %arg11: memref<8x128xf32, #tpu.memory_space<vmem>>, %arg12: memref<8x128xf32, #tpu.memory_space<vmem>>, %arg13: memref<64x128xf32, #tpu.memory_space<vmem>>, %arg14: memref<4x128x128xf32, #tpu.memory_space<vmem>>, %arg15: memref<!tpu.dma_semaphore, #tpu.memory_space<semaphore_mem>>, %arg16: memref<!tpu.dma_semaphore, #tpu.memory_space<semaphore_mem>>, %arg17: memref<!tpu.dma_semaphore, #tpu.memory_space<semaphore_mem>>, %arg18: memref<!tpu.dma_semaphore, #tpu.memory_space<semaphore_mem>>, %arg19: memref<!tpu.dma_semaphore, #tpu.memory_space<semaphore_mem>>, %arg20: memref<!tpu.dma_semaphore, #tpu.memory_space<semaphore_mem>>, %arg21: memref<!tpu.dma_semaphore, #tpu.memory_space<semaphore_mem>>, %arg22: memref<!tpu.dma_semaphore, #tpu.memory_space<semaphore_mem>>) attributes {dimension_semantics = [#tpu.dimension_semantics<core_parallel>, #tpu.dimension_semantics<subcore_parallel>], iteration_bounds = array<i64: 2, 16>, scalar_prefetch = 0 : i64, scratch_operands = 14 : i64, tpu.core_type = #tpu.core_type<sc_vector_subcore>, window_params = [{transform_indices = #map}, {transform_indices = #map}, {transform_indices = #map1}, {transform_indices = #map1}, {transform_indices = #map1}, {transform_indices = #map1}, {transform_indices = #map1}]} {
    %mul3A = arith.constant 2 : i32
    %mul3A_0 = arith.muli %arg1, %mul3A : i32
    %add3A = arith.addi %mul3A_0, %arg0 : i32
    %mul3A_1 = arith.constant 512 : i32
    %mul3A_2 = arith.muli %add3A, %mul3A_1 : i32
    "tpu.region"() ({
      %run_scoped3A = tpu.sem_alloc : memref<!tpu.dma_semaphore, #tpu.memory_space<semaphore_mem>>
      %dma_start3A = arith.constant 0 : i32
      %dma_start3A_67 = arith.constant 0 : i32
      %dma_start3A_68 = tpu.memref_slice %arg2[%add3A, %dma_start3A, %dma_start3A_67] : memref<32x4x128xi32, #tpu.memory_space<hbm>> -> memref<1x4x128xi32, #tpu.memory_space<hbm>>
      %dma_start3A_69 = tpu.memref_squeeze %dma_start3A_68 : memref<1x4x128xi32, #tpu.memory_space<hbm>> -> memref<4x128xi32, #tpu.memory_space<hbm>>
      %dma_start3A_70 = arith.constant 0 : i32
      %dma_start3A_71 = arith.constant 0 : i32
      %dma_start3A_72 = tpu.memref_slice %arg2[%add3A, %dma_start3A_70, %dma_start3A_71] : memref<32x4x128xi32, #tpu.memory_space<hbm>> -> memref<1x4x128xi32, #tpu.memory_space<hbm>>
      %dma_start3A_73 = tpu.memref_squeeze %dma_start3A_72 : memref<1x4x128xi32, #tpu.memory_space<hbm>> -> memref<4x128xi32, #tpu.memory_space<hbm>>
      tpu.enqueue_dma source(%dma_start3A_73 : memref<4x128xi32, #tpu.memory_space<hbm>>) target(%arg9 : memref<4x128xi32, #tpu.memory_space<vmem>>) target_semaphore(%run_scoped3A : memref<!tpu.dma_semaphore, #tpu.memory_space<semaphore_mem>>)
      %dma_wait3A_74 = arith.constant 0 : i32
      %dma_wait3A_75 = arith.constant 0 : i32
      %dma_wait3A_76 = tpu.memref_slice %arg2[%add3A, %dma_wait3A_74, %dma_wait3A_75] : memref<32x4x128xi32, #tpu.memory_space<hbm>> -> memref<1x4x128xi32, #tpu.memory_space<hbm>>
      %dma_wait3A_77 = tpu.memref_squeeze %dma_wait3A_76 : memref<1x4x128xi32, #tpu.memory_space<hbm>> -> memref<4x128xi32, #tpu.memory_space<hbm>>
      %dma_wait3A_78 = arith.constant 0 : i32
      %dma_wait3A_79 = arith.constant 0 : i32
      %dma_wait3A_80 = tpu.memref_slice %arg2[%add3A, %dma_wait3A_78, %dma_wait3A_79] : memref<32x4x128xi32, #tpu.memory_space<hbm>> -> memref<1x4x128xi32, #tpu.memory_space<hbm>>
      %dma_wait3A_81 = tpu.memref_squeeze %dma_wait3A_80 : memref<1x4x128xi32, #tpu.memory_space<hbm>> -> memref<4x128xi32, #tpu.memory_space<hbm>>
      tpu.wait_dma2 semaphore(%run_scoped3A : memref<!tpu.dma_semaphore, #tpu.memory_space<semaphore_mem>>) src(%dma_wait3A_81 : memref<4x128xi32, #tpu.memory_space<hbm>>) dst(%arg9 : memref<4x128xi32, #tpu.memory_space<vmem>>)
      tpu.yield
    }) : () -> ()
    "tpu.region"() ({
      %run_scoped3A = tpu.sem_alloc : memref<!tpu.dma_semaphore, #tpu.memory_space<semaphore_mem>>
      %dma_start3A = arith.constant 0 : i32
      %dma_start3A_67 = arith.constant 0 : i32
      %dma_start3A_68 = tpu.memref_slice %arg3[%add3A, %dma_start3A, %dma_start3A_67] : memref<32x256x128xi32, #tpu.memory_space<hbm>> -> memref<1x256x128xi32, #tpu.memory_space<hbm>>
      %dma_start3A_69 = tpu.memref_squeeze %dma_start3A_68 : memref<1x256x128xi32, #tpu.memory_space<hbm>> -> memref<256x128xi32, #tpu.memory_space<hbm>>
      %dma_start3A_70 = arith.constant 0 : i32
      %dma_start3A_71 = arith.constant 0 : i32
      %dma_start3A_72 = tpu.memref_slice %arg3[%add3A, %dma_start3A_70, %dma_start3A_71] : memref<32x256x128xi32, #tpu.memory_space<hbm>> -> memref<1x256x128xi32, #tpu.memory_space<hbm>>
      %dma_start3A_73 = tpu.memref_squeeze %dma_start3A_72 : memref<1x256x128xi32, #tpu.memory_space<hbm>> -> memref<256x128xi32, #tpu.memory_space<hbm>>
      tpu.enqueue_dma source(%dma_start3A_73 : memref<256x128xi32, #tpu.memory_space<hbm>>) target(%arg10 : memref<256x128xi32, #tpu.memory_space<vmem>>) target_semaphore(%run_scoped3A : memref<!tpu.dma_semaphore, #tpu.memory_space<semaphore_mem>>)
      %dma_wait3A_74 = arith.constant 0 : i32
      %dma_wait3A_75 = arith.constant 0 : i32
      %dma_wait3A_76 = tpu.memref_slice %arg3[%add3A, %dma_wait3A_74, %dma_wait3A_75] : memref<32x256x128xi32, #tpu.memory_space<hbm>> -> memref<1x256x128xi32, #tpu.memory_space<hbm>>
      %dma_wait3A_77 = tpu.memref_squeeze %dma_wait3A_76 : memref<1x256x128xi32, #tpu.memory_space<hbm>> -> memref<256x128xi32, #tpu.memory_space<hbm>>
      %dma_wait3A_78 = arith.constant 0 : i32
      %dma_wait3A_79 = arith.constant 0 : i32
      %dma_wait3A_80 = tpu.memref_slice %arg3[%add3A, %dma_wait3A_78, %dma_wait3A_79] : memref<32x256x128xi32, #tpu.memory_space<hbm>> -> memref<1x256x128xi32, #tpu.memory_space<hbm>>
      %dma_wait3A_81 = tpu.memref_squeeze %dma_wait3A_80 : memref<1x256x128xi32, #tpu.memory_space<hbm>> -> memref<256x128xi32, #tpu.memory_space<hbm>>
      tpu.wait_dma2 semaphore(%run_scoped3A : memref<!tpu.dma_semaphore, #tpu.memory_space<semaphore_mem>>) src(%dma_wait3A_81 : memref<256x128xi32, #tpu.memory_space<hbm>>) dst(%arg10 : memref<256x128xi32, #tpu.memory_space<vmem>>)
      tpu.yield
    }) : () -> ()
    "tpu.region"() ({
      %run_scoped3A = tpu.sem_alloc : memref<!tpu.dma_semaphore, #tpu.memory_space<semaphore_mem>>
      tpu.enqueue_dma source(%arg6 : memref<8x128xf32, #tpu.memory_space<hbm>>) target(%arg11 : memref<8x128xf32, #tpu.memory_space<vmem>>) target_semaphore(%run_scoped3A : memref<!tpu.dma_semaphore, #tpu.memory_space<semaphore_mem>>)
      tpu.wait_dma2 semaphore(%run_scoped3A : memref<!tpu.dma_semaphore, #tpu.memory_space<semaphore_mem>>) src(%arg6 : memref<8x128xf32, #tpu.memory_space<hbm>>) dst(%arg11 : memref<8x128xf32, #tpu.memory_space<vmem>>)
      tpu.yield
    }) : () -> ()
    "tpu.region"() ({
      %run_scoped3A = tpu.sem_alloc : memref<!tpu.dma_semaphore, #tpu.memory_space<semaphore_mem>>
      tpu.enqueue_dma source(%arg7 : memref<8x128xf32, #tpu.memory_space<hbm>>) target(%arg12 : memref<8x128xf32, #tpu.memory_space<vmem>>) target_semaphore(%run_scoped3A : memref<!tpu.dma_semaphore, #tpu.memory_space<semaphore_mem>>)
      tpu.wait_dma2 semaphore(%run_scoped3A : memref<!tpu.dma_semaphore, #tpu.memory_space<semaphore_mem>>) src(%arg7 : memref<8x128xf32, #tpu.memory_space<hbm>>) dst(%arg12 : memref<8x128xf32, #tpu.memory_space<vmem>>)
      tpu.yield
    }) : () -> ()
    %scan3A = arith.constant 0 : i32
    %scan3A_3 = arith.constant 0 : i32
    %scan3A_4 = arith.constant 64 : i32
    %scan3A_5 = arith.addi %scan3A_3, %scan3A_4 : i32
    %scan3A_6 = arith.constant 1 : i32
    scf.for %scan3A_67 = %scan3A_3 to %scan3A_5 step %scan3A_6  : i32 {
      %jit3A = arith.constant 8 : i32
      %div3A = arith.divsi %scan3A_67, %jit3A : i32
      %sign3A = arith.constant 0 : i32
      %sign3A_68 = arith.cmpi sgt, %scan3A_67, %sign3A : i32
      %sign3A_69 = arith.extui %sign3A_68 : i1 to i32
      %sign3A_70 = arith.constant 0 : i32
      %sign3A_71 = arith.cmpi slt, %scan3A_67, %sign3A_70 : i32
      %sign3A_72 = arith.extui %sign3A_71 : i1 to i32
      %sign3A_73 = arith.subi %sign3A_69, %sign3A_72 : i32
      %sign3A_74 = arith.constant 0 : i32
      %sign3A_75 = arith.cmpi sgt, %jit3A, %sign3A_74 : i32
      %sign3A_76 = arith.extui %sign3A_75 : i1 to i32
      %sign3A_77 = arith.constant 0 : i32
      %sign3A_78 = arith.cmpi slt, %jit3A, %sign3A_77 : i32
      %sign3A_79 = arith.extui %sign3A_78 : i1 to i32
      %sign3A_80 = arith.subi %sign3A_76, %sign3A_79 : i32
      %ne3A = arith.cmpi ne, %sign3A_73, %sign3A_80 : i32
      %rem3A = arith.remsi %scan3A_67, %jit3A : i32
      %ne3A_81 = arith.constant 0 : i32
      %ne3A_82 = arith.cmpi ne, %rem3A, %ne3A_81 : i32
      %and3A = arith.andi %ne3A, %ne3A_82 : i1
      %sub3A = arith.constant 1 : i32
      %sub3A_83 = arith.subi %div3A, %sub3A : i32
      %select_n3A = arith.select %and3A, %sub3A_83, %div3A : i32
      %jit3A_84 = arith.constant 8 : i32
      %eq3A = arith.constant 0 : i32
      %eq3A_85 = arith.cmpi eq, %jit3A_84, %eq3A : i32
      %jit3A_86 = arith.constant 1 : i32
      %select_n3A_87 = arith.select %eq3A_85, %jit3A_86, %jit3A_84 : i32
      %rem3A_88 = arith.remsi %scan3A_67, %select_n3A_87 : i32
      %ne3A_89 = arith.constant 0 : i32
      %ne3A_90 = arith.cmpi ne, %rem3A_88, %ne3A_89 : i32
      %lt3A = arith.constant 0 : i32
      %lt3A_91 = arith.cmpi slt, %rem3A_88, %lt3A : i32
      %lt3A_92 = arith.constant 0 : i32
      %lt3A_93 = arith.cmpi slt, %select_n3A_87, %lt3A_92 : i32
      %ne3A_94 = arith.xori %lt3A_91, %lt3A_93 : i1
      %and3A_95 = arith.andi %ne3A_94, %ne3A_90 : i1
      %add3A_96 = arith.addi %rem3A_88, %select_n3A_87 : i32
      %select_n3A_97 = arith.select %and3A_95, %add3A_96, %rem3A_88 : i32
      %get3A = arith.index_cast %select_n3A : i32 to index
      %get3A_98 = arith.constant 0 : index
      %get3A_99 = tpu.vector_load %arg11[%get3A, %get3A_98] {strides = array<i32>} : memref<8x128xf32, #tpu.memory_space<vmem>>, vector<1x16xf32>,
      %get3A_100 = vector.shape_cast %get3A_99 : vector<1x16xf32> to vector<16xf32>
      %get3A_101 = arith.index_cast %select_n3A_97 : i32 to index
      %get3A_102 = arith.constant 0 : index
      %get3A_103 = tpu.vector_load %arg12[%get3A_101, %get3A_102] {strides = array<i32>} : memref<8x128xf32, #tpu.memory_space<vmem>>, vector<1x16xf32>,
      %get3A_104 = vector.shape_cast %get3A_103 : vector<1x16xf32> to vector<16xf32>
      %add3A_105 = arith.addf %get3A_100, %get3A_104 : vector<16xf32>
      %swap3A = arith.index_cast %scan3A_67 : i32 to index
      %swap3A_106 = arith.constant 0 : index
      %swap3A_107 = tpu.vector_load %arg13[%swap3A, %swap3A_106] {strides = array<i32>} : memref<64x128xf32, #tpu.memory_space<vmem>>, vector<1x16xf32>,
      %swap3A_108 = vector.shape_cast %swap3A_107 : vector<1x16xf32> to vector<16xf32>
      %swap3A_109 = vector.shape_cast %add3A_105 : vector<16xf32> to vector<1x16xf32>
      tpu.vector_store %arg13[%swap3A, %swap3A_106], %swap3A_109 {strides = array<i32>} : memref<64x128xf32, #tpu.memory_space<vmem>>, vector<1x16xf32>,
      %get3A_110 = arith.index_cast %select_n3A : i32 to index
      %get3A_111 = arith.constant 16 : index
      %get3A_112 = tpu.vector_load %arg11[%get3A_110, %get3A_111] {strides = array<i32>} : memref<8x128xf32, #tpu.memory_space<vmem>>, vector<1x16xf32>,
      %get3A_113 = vector.shape_cast %get3A_112 : vector<1x16xf32> to vector<16xf32>
      %get3A_114 = arith.index_cast %select_n3A_97 : i32 to index
      %get3A_115 = arith.constant 16 : index
      %get3A_116 = tpu.vector_load %arg12[%get3A_114, %get3A_115] {strides = array<i32>} : memref<8x128xf32, #tpu.memory_space<vmem>>, vector<1x16xf32>,
      %get3A_117 = vector.shape_cast %get3A_116 : vector<1x16xf32> to vector<16xf32>
      %add3A_118 = arith.addf %get3A_113, %get3A_117 : vector<16xf32>
      %swap3A_119 = arith.index_cast %scan3A_67 : i32 to index
      %swap3A_120 = arith.constant 16 : index
      %swap3A_121 = tpu.vector_load %arg13[%swap3A_119, %swap3A_120] {strides = array<i32>} : memref<64x128xf32, #tpu.memory_space<vmem>>, vector<1x16xf32>,
      %swap3A_122 = vector.shape_cast %swap3A_121 : vector<1x16xf32> to vector<16xf32>
      %swap3A_123 = vector.shape_cast %add3A_118 : vector<16xf32> to vector<1x16xf32>
      tpu.vector_store %arg13[%swap3A_119, %swap3A_120], %swap3A_123 {strides = array<i32>} : memref<64x128xf32, #tpu.memory_space<vmem>>, vector<1x16xf32>,
      %get3A_124 = arith.index_cast %select_n3A : i32 to index
      %get3A_125 = arith.constant 32 : index
      %get3A_126 = tpu.vector_load %arg11[%get3A_124, %get3A_125] {strides = array<i32>} : memref<8x128xf32, #tpu.memory_space<vmem>>, vector<1x16xf32>,
      %get3A_127 = vector.shape_cast %get3A_126 : vector<1x16xf32> to vector<16xf32>
      %get3A_128 = arith.index_cast %select_n3A_97 : i32 to index
      %get3A_129 = arith.constant 32 : index
      %get3A_130 = tpu.vector_load %arg12[%get3A_128, %get3A_129] {strides = array<i32>} : memref<8x128xf32, #tpu.memory_space<vmem>>, vector<1x16xf32>,
      %get3A_131 = vector.shape_cast %get3A_130 : vector<1x16xf32> to vector<16xf32>
      %add3A_132 = arith.addf %get3A_127, %get3A_131 : vector<16xf32>
      %swap3A_133 = arith.index_cast %scan3A_67 : i32 to index
      %swap3A_134 = arith.constant 32 : index
      %swap3A_135 = tpu.vector_load %arg13[%swap3A_133, %swap3A_134] {strides = array<i32>} : memref<64x128xf32, #tpu.memory_space<vmem>>, vector<1x16xf32>,
      %swap3A_136 = vector.shape_cast %swap3A_135 : vector<1x16xf32> to vector<16xf32>
      %swap3A_137 = vector.shape_cast %add3A_132 : vector<16xf32> to vector<1x16xf32>
      tpu.vector_store %arg13[%swap3A_133, %swap3A_134], %swap3A_137 {strides = array<i32>} : memref<64x128xf32, #tpu.memory_space<vmem>>, vector<1x16xf32>,
      %get3A_138 = arith.index_cast %select_n3A : i32 to index
      %get3A_139 = arith.constant 48 : index
      %get3A_140 = tpu.vector_load %arg11[%get3A_138, %get3A_139] {strides = array<i32>} : memref<8x128xf32, #tpu.memory_space<vmem>>, vector<1x16xf32>,
      %get3A_141 = vector.shape_cast %get3A_140 : vector<1x16xf32> to vector<16xf32>
      %get3A_142 = arith.index_cast %select_n3A_97 : i32 to index
      %get3A_143 = arith.constant 48 : index
      %get3A_144 = tpu.vector_load %arg12[%get3A_142, %get3A_143] {strides = array<i32>} : memref<8x128xf32, #tpu.memory_space<vmem>>, vector<1x16xf32>,
      %get3A_145 = vector.shape_cast %get3A_144 : vector<1x16xf32> to vector<16xf32>
      %add3A_146 = arith.addf %get3A_141, %get3A_145 : vector<16xf32>
      %swap3A_147 = arith.index_cast %scan3A_67 : i32 to index
      %swap3A_148 = arith.constant 48 : index
      %swap3A_149 = tpu.vector_load %arg13[%swap3A_147, %swap3A_148] {strides = array<i32>} : memref<64x128xf32, #tpu.memory_space<vmem>>, vector<1x16xf32>,
      %swap3A_150 = vector.shape_cast %swap3A_149 : vector<1x16xf32> to vector<16xf32>
      %swap3A_151 = vector.shape_cast %add3A_146 : vector<16xf32> to vector<1x16xf32>
      tpu.vector_store %arg13[%swap3A_147, %swap3A_148], %swap3A_151 {strides = array<i32>} : memref<64x128xf32, #tpu.memory_space<vmem>>, vector<1x16xf32>,
      %get3A_152 = arith.index_cast %select_n3A : i32 to index
      %get3A_153 = arith.constant 64 : index
      %get3A_154 = tpu.vector_load %arg11[%get3A_152, %get3A_153] {strides = array<i32>} : memref<8x128xf32, #tpu.memory_space<vmem>>, vector<1x16xf32>,
      %get3A_155 = vector.shape_cast %get3A_154 : vector<1x16xf32> to vector<16xf32>
      %get3A_156 = arith.index_cast %select_n3A_97 : i32 to index
      %get3A_157 = arith.constant 64 : index
      %get3A_158 = tpu.vector_load %arg12[%get3A_156, %get3A_157] {strides = array<i32>} : memref<8x128xf32, #tpu.memory_space<vmem>>, vector<1x16xf32>,
      %get3A_159 = vector.shape_cast %get3A_158 : vector<1x16xf32> to vector<16xf32>
      %add3A_160 = arith.addf %get3A_155, %get3A_159 : vector<16xf32>
      %swap3A_161 = arith.index_cast %scan3A_67 : i32 to index
      %swap3A_162 = arith.constant 64 : index
      %swap3A_163 = tpu.vector_load %arg13[%swap3A_161, %swap3A_162] {strides = array<i32>} : memref<64x128xf32, #tpu.memory_space<vmem>>, vector<1x16xf32>,
      %swap3A_164 = vector.shape_cast %swap3A_163 : vector<1x16xf32> to vector<16xf32>
      %swap3A_165 = vector.shape_cast %add3A_160 : vector<16xf32> to vector<1x16xf32>
      tpu.vector_store %arg13[%swap3A_161, %swap3A_162], %swap3A_165 {strides = array<i32>} : memref<64x128xf32, #tpu.memory_space<vmem>>, vector<1x16xf32>,
      %get3A_166 = arith.index_cast %select_n3A : i32 to index
      %get3A_167 = arith.constant 80 : index
      %get3A_168 = tpu.vector_load %arg11[%get3A_166, %get3A_167] {strides = array<i32>} : memref<8x128xf32, #tpu.memory_space<vmem>>, vector<1x16xf32>,
      %get3A_169 = vector.shape_cast %get3A_168 : vector<1x16xf32> to vector<16xf32>
      %get3A_170 = arith.index_cast %select_n3A_97 : i32 to index
      %get3A_171 = arith.constant 80 : index
      %get3A_172 = tpu.vector_load %arg12[%get3A_170, %get3A_171] {strides = array<i32>} : memref<8x128xf32, #tpu.memory_space<vmem>>, vector<1x16xf32>,
      %get3A_173 = vector.shape_cast %get3A_172 : vector<1x16xf32> to vector<16xf32>
      %add3A_174 = arith.addf %get3A_169, %get3A_173 : vector<16xf32>
      %swap3A_175 = arith.index_cast %scan3A_67 : i32 to index
      %swap3A_176 = arith.constant 80 : index
      %swap3A_177 = tpu.vector_load %arg13[%swap3A_175, %swap3A_176] {strides = array<i32>} : memref<64x128xf32, #tpu.memory_space<vmem>>, vector<1x16xf32>,
      %swap3A_178 = vector.shape_cast %swap3A_177 : vector<1x16xf32> to vector<16xf32>
      %swap3A_179 = vector.shape_cast %add3A_174 : vector<16xf32> to vector<1x16xf32>
      tpu.vector_store %arg13[%swap3A_175, %swap3A_176], %swap3A_179 {strides = array<i32>} : memref<64x128xf32, #tpu.memory_space<vmem>>, vector<1x16xf32>,
      %get3A_180 = arith.index_cast %select_n3A : i32 to index
      %get3A_181 = arith.constant 96 : index
      %get3A_182 = tpu.vector_load %arg11[%get3A_180, %get3A_181] {strides = array<i32>} : memref<8x128xf32, #tpu.memory_space<vmem>>, vector<1x16xf32>,
      %get3A_183 = vector.shape_cast %get3A_182 : vector<1x16xf32> to vector<16xf32>
      %get3A_184 = arith.index_cast %select_n3A_97 : i32 to index
      %get3A_185 = arith.constant 96 : index
      %get3A_186 = tpu.vector_load %arg12[%get3A_184, %get3A_185] {strides = array<i32>} : memref<8x128xf32, #tpu.memory_space<vmem>>, vector<1x16xf32>,
      %get3A_187 = vector.shape_cast %get3A_186 : vector<1x16xf32> to vector<16xf32>
      %add3A_188 = arith.addf %get3A_183, %get3A_187 : vector<16xf32>
      %swap3A_189 = arith.index_cast %scan3A_67 : i32 to index
      %swap3A_190 = arith.constant 96 : index
      %swap3A_191 = tpu.vector_load %arg13[%swap3A_189, %swap3A_190] {strides = array<i32>} : memref<64x128xf32, #tpu.memory_space<vmem>>, vector<1x16xf32>,
      %swap3A_192 = vector.shape_cast %swap3A_191 : vector<1x16xf32> to vector<16xf32>
      %swap3A_193 = vector.shape_cast %add3A_188 : vector<16xf32> to vector<1x16xf32>
      tpu.vector_store %arg13[%swap3A_189, %swap3A_190], %swap3A_193 {strides = array<i32>} : memref<64x128xf32, #tpu.memory_space<vmem>>, vector<1x16xf32>,
      %get3A_194 = arith.index_cast %select_n3A : i32 to index
      %get3A_195 = arith.constant 112 : index
      %get3A_196 = tpu.vector_load %arg11[%get3A_194, %get3A_195] {strides = array<i32>} : memref<8x128xf32, #tpu.memory_space<vmem>>, vector<1x16xf32>,
      %get3A_197 = vector.shape_cast %get3A_196 : vector<1x16xf32> to vector<16xf32>
      %get3A_198 = arith.index_cast %select_n3A_97 : i32 to index
      %get3A_199 = arith.constant 112 : index
      %get3A_200 = tpu.vector_load %arg12[%get3A_198, %get3A_199] {strides = array<i32>} : memref<8x128xf32, #tpu.memory_space<vmem>>, vector<1x16xf32>,
      %get3A_201 = vector.shape_cast %get3A_200 : vector<1x16xf32> to vector<16xf32>
      %add3A_202 = arith.addf %get3A_197, %get3A_201 : vector<16xf32>
      %swap3A_203 = arith.index_cast %scan3A_67 : i32 to index
      %swap3A_204 = arith.constant 112 : index
      %swap3A_205 = tpu.vector_load %arg13[%swap3A_203, %swap3A_204] {strides = array<i32>} : memref<64x128xf32, #tpu.memory_space<vmem>>, vector<1x16xf32>,
      %swap3A_206 = vector.shape_cast %swap3A_205 : vector<1x16xf32> to vector<16xf32>
      %swap3A_207 = vector.shape_cast %add3A_202 : vector<16xf32> to vector<1x16xf32>
      tpu.vector_store %arg13[%swap3A_203, %swap3A_204], %swap3A_207 {strides = array<i32>} : memref<64x128xf32, #tpu.memory_space<vmem>>, vector<1x16xf32>,
    }
    %scan3A_7 = arith.constant 64 : i32
    %le3A = arith.constant 0 : i32
    %le3A_8 = arith.constant 3 : i32
    %le3A_9 = arith.cmpi sle, %le3A, %le3A_8 : i32
    %convert_element_type3A = arith.extui %le3A_9 : i1 to i32
    %cond3A = arith.constant 0 : i32
    %cond3A_10 = arith.constant 0 : i32
    %cond3A_11 = arith.cmpi ne, %convert_element_type3A, %cond3A_10 : i32
    scf.if %cond3A_11 {
      %dma_start3A = arith.constant 0 : i32
      %dma_start3A_67 = arith.constant 0 : i32
      %dma_start3A_68 = arith.constant 0 : i32
      %dma_start3A_69 = tpu.memref_slice %arg14[%dma_start3A, %dma_start3A_67, %dma_start3A_68] : memref<4x128x128xf32, #tpu.memory_space<vmem>> -> memref<1x128x128xf32, #tpu.memory_space<vmem>>
      %dma_start3A_70 = tpu.memref_squeeze %dma_start3A_69 : memref<1x128x128xf32, #tpu.memory_space<vmem>> -> memref<128x128xf32, #tpu.memory_space<vmem>>
      %dma_start3A_71 = arith.constant 0 : i32
      %dma_start3A_72 = tpu.memref_slice %arg9[%cond3A, %dma_start3A_71] : memref<4x128xi32, #tpu.memory_space<vmem>> -> memref<1x128xi32, #tpu.memory_space<vmem>>
      %dma_start3A_73 = tpu.memref_squeeze %dma_start3A_72 : memref<1x128xi32, #tpu.memory_space<vmem>> -> memref<128xi32, #tpu.memory_space<vmem>>
      %dma_start3A_74 = arith.constant 0 : i32
      %dma_start3A_75 = arith.constant 0 : i32
      %dma_start3A_76 = tpu.memref_slice %arg4[%dma_start3A_74, %dma_start3A_75] : memref<1000x128xf32, #tpu.memory_space<hbm>> -> memref<1000x128xf32, #tpu.memory_space<hbm>>
      tpu.enqueue_indirect_dma source(%dma_start3A_76 : memref<1000x128xf32, #tpu.memory_space<hbm>>) target(%dma_start3A_70 : memref<128x128xf32, #tpu.memory_space<vmem>>) offsets(%dma_start3A_73 : memref<128xi32, #tpu.memory_space<vmem>>) semaphore(%arg15 : memref<!tpu.dma_semaphore, #tpu.memory_space<semaphore_mem>>)
    } else {
    }
    %ge3A = arith.constant 0 : i32
    %ge3A_12 = arith.constant 4 : i32
    %ge3A_13 = arith.cmpi sge, %ge3A, %ge3A_12 : i32
    %convert_element_type3A_14 = arith.extui %ge3A_13 : i1 to i32
    %cond3A_15 = arith.constant 0 : i32
    %cond3A_16 = arith.constant 0 : i32
    %cond3A_17 = arith.cmpi ne, %convert_element_type3A_14, %cond3A_16 : i32
    scf.if %cond3A_17 {
      %sub3A = arith.constant 4 : i32
      %sub3A_67 = arith.subi %cond3A_15, %sub3A : i32
      %dma_start3A = arith.constant 0 : i32
      %dma_start3A_68 = arith.constant 0 : i32
      %dma_start3A_69 = arith.constant 0 : i32
      %dma_start3A_70 = tpu.memref_slice %arg14[%dma_start3A, %dma_start3A_68, %dma_start3A_69] : memref<4x128x128xf32, #tpu.memory_space<vmem>> -> memref<1x128x128xf32, #tpu.memory_space<vmem>>
      %dma_start3A_71 = tpu.memref_squeeze %dma_start3A_70 : memref<1x128x128xf32, #tpu.memory_space<vmem>> -> memref<128x128xf32, #tpu.memory_space<vmem>>
      %dma_start3A_72 = arith.constant 0 : i32
      %dma_start3A_73 = tpu.memref_slice %arg10[%sub3A_67, %dma_start3A_72] : memref<256x128xi32, #tpu.memory_space<vmem>> -> memref<1x128xi32, #tpu.memory_space<vmem>>
      %dma_start3A_74 = tpu.memref_squeeze %dma_start3A_73 : memref<1x128xi32, #tpu.memory_space<vmem>> -> memref<128xi32, #tpu.memory_space<vmem>>
      %dma_start3A_75 = arith.constant 0 : i32
      %dma_start3A_76 = arith.constant 0 : i32
      %dma_start3A_77 = tpu.memref_slice %arg5[%dma_start3A_75, %dma_start3A_76] : memref<1000000x128xf32, #tpu.memory_space<hbm>> -> memref<1000000x128xf32, #tpu.memory_space<hbm>>
      tpu.enqueue_indirect_dma source(%dma_start3A_77 : memref<1000000x128xf32, #tpu.memory_space<hbm>>) target(%dma_start3A_71 : memref<128x128xf32, #tpu.memory_space<vmem>>) offsets(%dma_start3A_74 : memref<128xi32, #tpu.memory_space<vmem>>) semaphore(%arg15 : memref<!tpu.dma_semaphore, #tpu.memory_space<semaphore_mem>>)
    } else {
    }
    %le3A_18 = arith.constant 1 : i32
    %le3A_19 = arith.constant 3 : i32
    %le3A_20 = arith.cmpi sle, %le3A_18, %le3A_19 : i32
    %convert_element_type3A_21 = arith.extui %le3A_20 : i1 to i32
    %cond3A_22 = arith.constant 1 : i32
    %cond3A_23 = arith.constant 0 : i32
    %cond3A_24 = arith.cmpi ne, %convert_element_type3A_21, %cond3A_23 : i32
    scf.if %cond3A_24 {
      %dma_start3A = arith.constant 1 : i32
      %dma_start3A_67 = arith.constant 0 : i32
      %dma_start3A_68 = arith.constant 0 : i32
      %dma_start3A_69 = tpu.memref_slice %arg14[%dma_start3A, %dma_start3A_67, %dma_start3A_68] : memref<4x128x128xf32, #tpu.memory_space<vmem>> -> memref<1x128x128xf32, #tpu.memory_space<vmem>>
      %dma_start3A_70 = tpu.memref_squeeze %dma_start3A_69 : memref<1x128x128xf32, #tpu.memory_space<vmem>> -> memref<128x128xf32, #tpu.memory_space<vmem>>
      %dma_start3A_71 = arith.constant 0 : i32
      %dma_start3A_72 = tpu.memref_slice %arg9[%cond3A_22, %dma_start3A_71] : memref<4x128xi32, #tpu.memory_space<vmem>> -> memref<1x128xi32, #tpu.memory_space<vmem>>
      %dma_start3A_73 = tpu.memref_squeeze %dma_start3A_72 : memref<1x128xi32, #tpu.memory_space<vmem>> -> memref<128xi32, #tpu.memory_space<vmem>>
      %dma_start3A_74 = arith.constant 0 : i32
      %dma_start3A_75 = arith.constant 0 : i32
      %dma_start3A_76 = tpu.memref_slice %arg4[%dma_start3A_74, %dma_start3A_75] : memref<1000x128xf32, #tpu.memory_space<hbm>> -> memref<1000x128xf32, #tpu.memory_space<hbm>>
      tpu.enqueue_indirect_dma source(%dma_start3A_76 : memref<1000x128xf32, #tpu.memory_space<hbm>>) target(%dma_start3A_70 : memref<128x128xf32, #tpu.memory_space<vmem>>) offsets(%dma_start3A_73 : memref<128xi32, #tpu.memory_space<vmem>>) semaphore(%arg16 : memref<!tpu.dma_semaphore, #tpu.memory_space<semaphore_mem>>)
    } else {
    }
    %ge3A_25 = arith.constant 1 : i32
    %ge3A_26 = arith.constant 4 : i32
    %ge3A_27 = arith.cmpi sge, %ge3A_25, %ge3A_26 : i32
    %convert_element_type3A_28 = arith.extui %ge3A_27 : i1 to i32
    %cond3A_29 = arith.constant 1 : i32
    %cond3A_30 = arith.constant 0 : i32
    %cond3A_31 = arith.cmpi ne, %convert_element_type3A_28, %cond3A_30 : i32
    scf.if %cond3A_31 {
      %sub3A = arith.constant 4 : i32
      %sub3A_67 = arith.subi %cond3A_29, %sub3A : i32
      %dma_start3A = arith.constant 1 : i32
      %dma_start3A_68 = arith.constant 0 : i32
      %dma_start3A_69 = arith.constant 0 : i32
      %dma_start3A_70 = tpu.memref_slice %arg14[%dma_start3A, %dma_start3A_68, %dma_start3A_69] : memref<4x128x128xf32, #tpu.memory_space<vmem>> -> memref<1x128x128xf32, #tpu.memory_space<vmem>>
      %dma_start3A_71 = tpu.memref_squeeze %dma_start3A_70 : memref<1x128x128xf32, #tpu.memory_space<vmem>> -> memref<128x128xf32, #tpu.memory_space<vmem>>
      %dma_start3A_72 = arith.constant 0 : i32
      %dma_start3A_73 = tpu.memref_slice %arg10[%sub3A_67, %dma_start3A_72] : memref<256x128xi32, #tpu.memory_space<vmem>> -> memref<1x128xi32, #tpu.memory_space<vmem>>
      %dma_start3A_74 = tpu.memref_squeeze %dma_start3A_73 : memref<1x128xi32, #tpu.memory_space<vmem>> -> memref<128xi32, #tpu.memory_space<vmem>>
      %dma_start3A_75 = arith.constant 0 : i32
      %dma_start3A_76 = arith.constant 0 : i32
      %dma_start3A_77 = tpu.memref_slice %arg5[%dma_start3A_75, %dma_start3A_76] : memref<1000000x128xf32, #tpu.memory_space<hbm>> -> memref<1000000x128xf32, #tpu.memory_space<hbm>>
      tpu.enqueue_indirect_dma source(%dma_start3A_77 : memref<1000000x128xf32, #tpu.memory_space<hbm>>) target(%dma_start3A_71 : memref<128x128xf32, #tpu.memory_space<vmem>>) offsets(%dma_start3A_74 : memref<128xi32, #tpu.memory_space<vmem>>) semaphore(%arg16 : memref<!tpu.dma_semaphore, #tpu.memory_space<semaphore_mem>>)
    } else {
    }
    %scan3A_32 = arith.constant 0 : i32
    %scan3A_33 = arith.constant 0 : i32
    %scan3A_34 = arith.constant 65 : i32
    %scan3A_35 = arith.addi %scan3A_33, %scan3A_34 : i32
    %scan3A_36 = arith.constant 1 : i32
    scf.for %scan3A_67 = %scan3A_33 to %scan3A_35 step %scan3A_36  : i32 {
      %mul3A_68 = arith.constant 4 : i32
      %mul3A_69 = arith.muli %mul3A_68, %scan3A_67 : i32
      %add3A_70 = arith.constant 0 : i32
      %add3A_71 = arith.addi %mul3A_69, %add3A_70 : i32
      %dma_wait3A_72 = arith.constant 0 : i32
      %dma_wait3A_73 = arith.constant 0 : i32
      %dma_wait3A_74 = arith.constant 0 : i32
      %dma_wait3A_75 = arith.constant 0 : i32
      %dma_wait3A_76 = tpu.memref_slice %arg14[%dma_wait3A_73, %dma_wait3A_74, %dma_wait3A_75] : memref<4x128x128xf32, #tpu.memory_space<vmem>> -> memref<1x128x128xf32, #tpu.memory_space<vmem>>
      %dma_wait3A_77 = tpu.memref_squeeze %dma_wait3A_76 : memref<1x128x128xf32, #tpu.memory_space<vmem>> -> memref<128x128xf32, #tpu.memory_space<vmem>>
      %dma_wait3A_78 = arith.constant 0 : i32
      %dma_wait3A_79 = tpu.memref_slice %arg10[%dma_wait3A_72, %dma_wait3A_78] : memref<256x128xi32, #tpu.memory_space<vmem>> -> memref<1x128xi32, #tpu.memory_space<vmem>>
      %dma_wait3A_80 = tpu.memref_squeeze %dma_wait3A_79 : memref<1x128xi32, #tpu.memory_space<vmem>> -> memref<128xi32, #tpu.memory_space<vmem>>
      %dma_wait3A_81 = arith.constant 0 : i32
      %dma_wait3A_82 = arith.constant 0 : i32
      %dma_wait3A_83 = tpu.memref_slice %arg5[%dma_wait3A_81, %dma_wait3A_82] : memref<1000000x128xf32, #tpu.memory_space<hbm>> -> memref<1000000x128xf32, #tpu.memory_space<hbm>>
      tpu.wait_indirect_dma semaphore(%arg15 : memref<!tpu.dma_semaphore, #tpu.memory_space<semaphore_mem>>) src(%dma_wait3A_83 : memref<1000000x128xf32, #tpu.memory_space<hbm>>) dst(%dma_wait3A_77 : memref<128x128xf32, #tpu.memory_space<vmem>>)
      %ge3A_84 = arith.constant 2 : i32
      %ge3A_85 = arith.cmpi sge, %add3A_71, %ge3A_84 : i32
      %convert_element_type3A_86 = arith.extui %ge3A_85 : i1 to i32
      %cond3A_87 = arith.constant 0 : i32
      %cond3A_88 = arith.cmpi ne, %convert_element_type3A_86, %cond3A_87 : i32
      scf.if %cond3A_88 {
        %dma_wait3A_263 = arith.constant 2 : i32
        %dma_wait3A_264 = arith.constant 0 : i32
        %dma_wait3A_265 = arith.constant 0 : i32
        %dma_wait3A_266 = tpu.memref_slice %arg14[%dma_wait3A_263, %dma_wait3A_264, %dma_wait3A_265] : memref<4x128x128xf32, #tpu.memory_space<vmem>> -> memref<1x128x128xf32, #tpu.memory_space<vmem>>
        %dma_wait3A_267 = tpu.memref_squeeze %dma_wait3A_266 : memref<1x128x128xf32, #tpu.memory_space<vmem>> -> memref<128x128xf32, #tpu.memory_space<vmem>>
        %dma_wait3A_268 = arith.constant 0 : i32
        %dma_wait3A_269 = arith.constant 0 : i32
        %dma_wait3A_270 = tpu.memref_slice %arg8[%dma_wait3A_268, %dma_wait3A_269] : memref<1064960x128xf32, #tpu.memory_space<hbm>> -> memref<128x128xf32, #tpu.memory_space<hbm>>
        %dma_wait3A_271 = arith.constant 0 : i32
        %dma_wait3A_272 = arith.constant 0 : i32
        %dma_wait3A_273 = tpu.memref_slice %arg8[%dma_wait3A_271, %dma_wait3A_272] : memref<1064960x128xf32, #tpu.memory_space<hbm>> -> memref<128x128xf32, #tpu.memory_space<hbm>>
        %dma_wait3A_274 = arith.constant 0 : i32
        %dma_wait3A_275 = arith.constant 0 : i32
        %dma_wait3A_276 = tpu.memref_slice %arg14[%dma_wait3A_263, %dma_wait3A_274, %dma_wait3A_275] : memref<4x128x128xf32, #tpu.memory_space<vmem>> -> memref<1x128x128xf32, #tpu.memory_space<vmem>>
        %dma_wait3A_277 = tpu.memref_squeeze %dma_wait3A_276 : memref<1x128x128xf32, #tpu.memory_space<vmem>> -> memref<128x128xf32, #tpu.memory_space<vmem>>
        tpu.wait_dma2 semaphore(%arg21 : memref<!tpu.dma_semaphore, #tpu.memory_space<semaphore_mem>>) src(%dma_wait3A_277 : memref<128x128xf32, #tpu.memory_space<vmem>>) dst(%dma_wait3A_273 : memref<128x128xf32, #tpu.memory_space<hbm>>)
      } else {
      }
      %le3A_89 = arith.constant 257 : i32
      %le3A_90 = arith.cmpi sle, %add3A_71, %le3A_89 : i32
      %convert_element_type3A_91 = arith.extui %le3A_90 : i1 to i32
      %cond3A_92 = arith.constant 0 : i32
      %cond3A_93 = arith.cmpi ne, %convert_element_type3A_91, %cond3A_92 : i32
      scf.if %cond3A_93 {
        %add3A_263 = arith.constant 2 : i32
        %add3A_264 = arith.addi %add3A_71, %add3A_263 : i32
        %le3A_265 = arith.constant 3 : i32
        %le3A_266 = arith.cmpi sle, %add3A_264, %le3A_265 : i32
        %convert_element_type3A_267 = arith.extui %le3A_266 : i1 to i32
        %cond3A_268 = arith.constant 0 : i32
        %cond3A_269 = arith.cmpi ne, %convert_element_type3A_267, %cond3A_268 : i32
        scf.if %cond3A_269 {
          %dma_start3A_275 = arith.constant 2 : i32
          %dma_start3A_276 = arith.constant 0 : i32
          %dma_start3A_277 = arith.constant 0 : i32
          %dma_start3A_278 = tpu.memref_slice %arg14[%dma_start3A_275, %dma_start3A_276, %dma_start3A_277] : memref<4x128x128xf32, #tpu.memory_space<vmem>> -> memref<1x128x128xf32, #tpu.memory_space<vmem>>
          %dma_start3A_279 = tpu.memref_squeeze %dma_start3A_278 : memref<1x128x128xf32, #tpu.memory_space<vmem>> -> memref<128x128xf32, #tpu.memory_space<vmem>>
          %dma_start3A_280 = arith.constant 0 : i32
          %dma_start3A_281 = tpu.memref_slice %arg9[%add3A_264, %dma_start3A_280] : memref<4x128xi32, #tpu.memory_space<vmem>> -> memref<1x128xi32, #tpu.memory_space<vmem>>
          %dma_start3A_282 = tpu.memref_squeeze %dma_start3A_281 : memref<1x128xi32, #tpu.memory_space<vmem>> -> memref<128xi32, #tpu.memory_space<vmem>>
          %dma_start3A_283 = arith.constant 0 : i32
          %dma_start3A_284 = arith.constant 0 : i32
          %dma_start3A_285 = tpu.memref_slice %arg4[%dma_start3A_283, %dma_start3A_284] : memref<1000x128xf32, #tpu.memory_space<hbm>> -> memref<1000x128xf32, #tpu.memory_space<hbm>>
          tpu.enqueue_indirect_dma source(%dma_start3A_285 : memref<1000x128xf32, #tpu.memory_space<hbm>>) target(%dma_start3A_279 : memref<128x128xf32, #tpu.memory_space<vmem>>) offsets(%dma_start3A_282 : memref<128xi32, #tpu.memory_space<vmem>>) semaphore(%arg17 : memref<!tpu.dma_semaphore, #tpu.memory_space<semaphore_mem>>)
        } else {
        }
        %ge3A_270 = arith.constant 4 : i32
        %ge3A_271 = arith.cmpi sge, %add3A_264, %ge3A_270 : i32
        %convert_element_type3A_272 = arith.extui %ge3A_271 : i1 to i32
        %cond3A_273 = arith.constant 0 : i32
        %cond3A_274 = arith.cmpi ne, %convert_element_type3A_272, %cond3A_273 : i32
        scf.if %cond3A_274 {
          %sub3A = arith.constant 4 : i32
          %sub3A_275 = arith.subi %add3A_264, %sub3A : i32
          %dma_start3A_276 = arith.constant 2 : i32
          %dma_start3A_277 = arith.constant 0 : i32
          %dma_start3A_278 = arith.constant 0 : i32
          %dma_start3A_279 = tpu.memref_slice %arg14[%dma_start3A_276, %dma_start3A_277, %dma_start3A_278] : memref<4x128x128xf32, #tpu.memory_space<vmem>> -> memref<1x128x128xf32, #tpu.memory_space<vmem>>
          %dma_start3A_280 = tpu.memref_squeeze %dma_start3A_279 : memref<1x128x128xf32, #tpu.memory_space<vmem>> -> memref<128x128xf32, #tpu.memory_space<vmem>>
          %dma_start3A_281 = arith.constant 0 : i32
          %dma_start3A_282 = tpu.memref_slice %arg10[%sub3A_275, %dma_start3A_281] : memref<256x128xi32, #tpu.memory_space<vmem>> -> memref<1x128xi32, #tpu.memory_space<vmem>>
          %dma_start3A_283 = tpu.memref_squeeze %dma_start3A_282 : memref<1x128xi32, #tpu.memory_space<vmem>> -> memref<128xi32, #tpu.memory_space<vmem>>
          %dma_start3A_284 = arith.constant 0 : i32
          %dma_start3A_285 = arith.constant 0 : i32
          %dma_start3A_286 = tpu.memref_slice %arg5[%dma_start3A_284, %dma_start3A_285] : memref<1000000x128xf32, #tpu.memory_space<hbm>> -> memref<1000000x128xf32, #tpu.memory_space<hbm>>
          tpu.enqueue_indirect_dma source(%dma_start3A_286 : memref<1000000x128xf32, #tpu.memory_space<hbm>>) target(%dma_start3A_280 : memref<128x128xf32, #tpu.memory_space<vmem>>) offsets(%dma_start3A_283 : memref<128xi32, #tpu.memory_space<vmem>>) semaphore(%arg17 : memref<!tpu.dma_semaphore, #tpu.memory_space<semaphore_mem>>)
        } else {
        }
      } else {
      }
      %ge3A_94 = arith.constant 1 : i32
      %ge3A_95 = arith.cmpi sge, %scan3A_67, %ge3A_94 : i32
      %convert_element_type3A_96 = arith.extui %ge3A_95 : i1 to i32
      %cond3A_97 = arith.constant 0 : i32
      %cond3A_98 = arith.cmpi ne, %convert_element_type3A_96, %cond3A_97 : i32
      scf.if %cond3A_98 {
        %sub3A = arith.constant 1 : i32
        %sub3A_263 = arith.subi %scan3A_67, %sub3A : i32
        %get3A = arith.index_cast %sub3A_263 : i32 to index
        %get3A_264 = arith.constant 0 : index
        %get3A_265 = tpu.vector_load %arg13[%get3A, %get3A_264] {strides = array<i32>} : memref<64x128xf32, #tpu.memory_space<vmem>>, vector<1x16xf32>,
        %get3A_266 = vector.shape_cast %get3A_265 : vector<1x16xf32> to vector<16xf32>
        %sub3A_267 = arith.constant 1 : i32
        %sub3A_268 = arith.subi %scan3A_67, %sub3A_267 : i32
        %get3A_269 = arith.index_cast %sub3A_268 : i32 to index
        %get3A_270 = arith.constant 16 : index
        %get3A_271 = tpu.vector_load %arg13[%get3A_269, %get3A_270] {strides = array<i32>} : memref<64x128xf32, #tpu.memory_space<vmem>>, vector<1x16xf32>,
        %get3A_272 = vector.shape_cast %get3A_271 : vector<1x16xf32> to vector<16xf32>
        %sub3A_273 = arith.constant 1 : i32
        %sub3A_274 = arith.subi %scan3A_67, %sub3A_273 : i32
        %get3A_275 = arith.index_cast %sub3A_274 : i32 to index
        %get3A_276 = arith.constant 32 : index
        %get3A_277 = tpu.vector_load %arg13[%get3A_275, %get3A_276] {strides = array<i32>} : memref<64x128xf32, #tpu.memory_space<vmem>>, vector<1x16xf32>,
        %get3A_278 = vector.shape_cast %get3A_277 : vector<1x16xf32> to vector<16xf32>
        %sub3A_279 = arith.constant 1 : i32
        %sub3A_280 = arith.subi %scan3A_67, %sub3A_279 : i32
        %get3A_281 = arith.index_cast %sub3A_280 : i32 to index
        %get3A_282 = arith.constant 48 : index
        %get3A_283 = tpu.vector_load %arg13[%get3A_281, %get3A_282] {strides = array<i32>} : memref<64x128xf32, #tpu.memory_space<vmem>>, vector<1x16xf32>,
        %get3A_284 = vector.shape_cast %get3A_283 : vector<1x16xf32> to vector<16xf32>
        %sub3A_285 = arith.constant 1 : i32
        %sub3A_286 = arith.subi %scan3A_67, %sub3A_285 : i32
        %get3A_287 = arith.index_cast %sub3A_286 : i32 to index
        %get3A_288 = arith.constant 64 : index
        %get3A_289 = tpu.vector_load %arg13[%get3A_287, %get3A_288] {strides = array<i32>} : memref<64x128xf32, #tpu.memory_space<vmem>>, vector<1x16xf32>,
        %get3A_290 = vector.shape_cast %get3A_289 : vector<1x16xf32> to vector<16xf32>
        %sub3A_291 = arith.constant 1 : i32
        %sub3A_292 = arith.subi %scan3A_67, %sub3A_291 : i32
        %get3A_293 = arith.index_cast %sub3A_292 : i32 to index
        %get3A_294 = arith.constant 80 : index
        %get3A_295 = tpu.vector_load %arg13[%get3A_293, %get3A_294] {strides = array<i32>} : memref<64x128xf32, #tpu.memory_space<vmem>>, vector<1x16xf32>,
        %get3A_296 = vector.shape_cast %get3A_295 : vector<1x16xf32> to vector<16xf32>
        %sub3A_297 = arith.constant 1 : i32
        %sub3A_298 = arith.subi %scan3A_67, %sub3A_297 : i32
        %get3A_299 = arith.index_cast %sub3A_298 : i32 to index
        %get3A_300 = arith.constant 96 : index
        %get3A_301 = tpu.vector_load %arg13[%get3A_299, %get3A_300] {strides = array<i32>} : memref<64x128xf32, #tpu.memory_space<vmem>>, vector<1x16xf32>,
        %get3A_302 = vector.shape_cast %get3A_301 : vector<1x16xf32> to vector<16xf32>
        %sub3A_303 = arith.constant 1 : i32
        %sub3A_304 = arith.subi %scan3A_67, %sub3A_303 : i32
        %get3A_305 = arith.index_cast %sub3A_304 : i32 to index
        %get3A_306 = arith.constant 112 : index
        %get3A_307 = tpu.vector_load %arg13[%get3A_305, %get3A_306] {strides = array<i32>} : memref<64x128xf32, #tpu.memory_space<vmem>>, vector<1x16xf32>,
        %get3A_308 = vector.shape_cast %get3A_307 : vector<1x16xf32> to vector<16xf32>
        %scan3A_309 = arith.constant 0 : i32
        %scan3A_310 = arith.constant 128 : i32
        %scan3A_311 = arith.addi %scan3A_309, %scan3A_310 : i32
        %scan3A_312 = arith.constant 1 : i32
        scf.for %scan3A_314 = %scan3A_309 to %scan3A_311 step %scan3A_312  : i32 {
          %get3A_315 = arith.constant 0 : i32
          %get3A_316 = arith.index_cast %get3A_315 : i32 to index
          %get3A_317 = arith.index_cast %scan3A_314 : i32 to index
          %get3A_318 = arith.constant 0 : index
          %get3A_319 = tpu.vector_load %arg14[%get3A_316, %get3A_317, %get3A_318] {strides = array<i32>} : memref<4x128x128xf32, #tpu.memory_space<vmem>>, vector<1x1x16xf32>,
          %get3A_320 = vector.shape_cast %get3A_319 : vector<1x1x16xf32> to vector<16xf32>
          %add3A_321 = arith.addf %get3A_320, %get3A_266 : vector<16xf32>
          %swap3A = arith.constant 0 : i32
          %swap3A_322 = arith.index_cast %swap3A : i32 to index
          %swap3A_323 = arith.index_cast %scan3A_314 : i32 to index
          %swap3A_324 = arith.constant 0 : index
          %swap3A_325 = tpu.vector_load %arg14[%swap3A_322, %swap3A_323, %swap3A_324] {strides = array<i32>} : memref<4x128x128xf32, #tpu.memory_space<vmem>>, vector<1x1x16xf32>,
          %swap3A_326 = vector.shape_cast %swap3A_325 : vector<1x1x16xf32> to vector<16xf32>
          %swap3A_327 = vector.shape_cast %add3A_321 : vector<16xf32> to vector<1x1x16xf32>
          tpu.vector_store %arg14[%swap3A_322, %swap3A_323, %swap3A_324], %swap3A_327 {strides = array<i32>} : memref<4x128x128xf32, #tpu.memory_space<vmem>>, vector<1x1x16xf32>,
          %get3A_328 = arith.constant 0 : i32
          %get3A_329 = arith.index_cast %get3A_328 : i32 to index
          %get3A_330 = arith.index_cast %scan3A_314 : i32 to index
          %get3A_331 = arith.constant 16 : index
          %get3A_332 = tpu.vector_load %arg14[%get3A_329, %get3A_330, %get3A_331] {strides = array<i32>} : memref<4x128x128xf32, #tpu.memory_space<vmem>>, vector<1x1x16xf32>,
          %get3A_333 = vector.shape_cast %get3A_332 : vector<1x1x16xf32> to vector<16xf32>
          %add3A_334 = arith.addf %get3A_333, %get3A_272 : vector<16xf32>
          %swap3A_335 = arith.constant 0 : i32
          %swap3A_336 = arith.index_cast %swap3A_335 : i32 to index
          %swap3A_337 = arith.index_cast %scan3A_314 : i32 to index
          %swap3A_338 = arith.constant 16 : index
          %swap3A_339 = tpu.vector_load %arg14[%swap3A_336, %swap3A_337, %swap3A_338] {strides = array<i32>} : memref<4x128x128xf32, #tpu.memory_space<vmem>>, vector<1x1x16xf32>,
          %swap3A_340 = vector.shape_cast %swap3A_339 : vector<1x1x16xf32> to vector<16xf32>
          %swap3A_341 = vector.shape_cast %add3A_334 : vector<16xf32> to vector<1x1x16xf32>
          tpu.vector_store %arg14[%swap3A_336, %swap3A_337, %swap3A_338], %swap3A_341 {strides = array<i32>} : memref<4x128x128xf32, #tpu.memory_space<vmem>>, vector<1x1x16xf32>,
          %get3A_342 = arith.constant 0 : i32
          %get3A_343 = arith.index_cast %get3A_342 : i32 to index
          %get3A_344 = arith.index_cast %scan3A_314 : i32 to index
          %get3A_345 = arith.constant 32 : index
          %get3A_346 = tpu.vector_load %arg14[%get3A_343, %get3A_344, %get3A_345] {strides = array<i32>} : memref<4x128x128xf32, #tpu.memory_space<vmem>>, vector<1x1x16xf32>,
          %get3A_347 = vector.shape_cast %get3A_346 : vector<1x1x16xf32> to vector<16xf32>
          %add3A_348 = arith.addf %get3A_347, %get3A_278 : vector<16xf32>
          %swap3A_349 = arith.constant 0 : i32
          %swap3A_350 = arith.index_cast %swap3A_349 : i32 to index
          %swap3A_351 = arith.index_cast %scan3A_314 : i32 to index
          %swap3A_352 = arith.constant 32 : index
          %swap3A_353 = tpu.vector_load %arg14[%swap3A_350, %swap3A_351, %swap3A_352] {strides = array<i32>} : memref<4x128x128xf32, #tpu.memory_space<vmem>>, vector<1x1x16xf32>,
          %swap3A_354 = vector.shape_cast %swap3A_353 : vector<1x1x16xf32> to vector<16xf32>
          %swap3A_355 = vector.shape_cast %add3A_348 : vector<16xf32> to vector<1x1x16xf32>
          tpu.vector_store %arg14[%swap3A_350, %swap3A_351, %swap3A_352], %swap3A_355 {strides = array<i32>} : memref<4x128x128xf32, #tpu.memory_space<vmem>>, vector<1x1x16xf32>,
          %get3A_356 = arith.constant 0 : i32
          %get3A_357 = arith.index_cast %get3A_356 : i32 to index
          %get3A_358 = arith.index_cast %scan3A_314 : i32 to index
          %get3A_359 = arith.constant 48 : index
          %get3A_360 = tpu.vector_load %arg14[%get3A_357, %get3A_358, %get3A_359] {strides = array<i32>} : memref<4x128x128xf32, #tpu.memory_space<vmem>>, vector<1x1x16xf32>,
          %get3A_361 = vector.shape_cast %get3A_360 : vector<1x1x16xf32> to vector<16xf32>
          %add3A_362 = arith.addf %get3A_361, %get3A_284 : vector<16xf32>
          %swap3A_363 = arith.constant 0 : i32
          %swap3A_364 = arith.index_cast %swap3A_363 : i32 to index
          %swap3A_365 = arith.index_cast %scan3A_314 : i32 to index
          %swap3A_366 = arith.constant 48 : index
          %swap3A_367 = tpu.vector_load %arg14[%swap3A_364, %swap3A_365, %swap3A_366] {strides = array<i32>} : memref<4x128x128xf32, #tpu.memory_space<vmem>>, vector<1x1x16xf32>,
          %swap3A_368 = vector.shape_cast %swap3A_367 : vector<1x1x16xf32> to vector<16xf32>
          %swap3A_369 = vector.shape_cast %add3A_362 : vector<16xf32> to vector<1x1x16xf32>
          tpu.vector_store %arg14[%swap3A_364, %swap3A_365, %swap3A_366], %swap3A_369 {strides = array<i32>} : memref<4x128x128xf32, #tpu.memory_space<vmem>>, vector<1x1x16xf32>,
          %get3A_370 = arith.constant 0 : i32
          %get3A_371 = arith.index_cast %get3A_370 : i32 to index
          %get3A_372 = arith.index_cast %scan3A_314 : i32 to index
          %get3A_373 = arith.constant 64 : index
          %get3A_374 = tpu.vector_load %arg14[%get3A_371, %get3A_372, %get3A_373] {strides = array<i32>} : memref<4x128x128xf32, #tpu.memory_space<vmem>>, vector<1x1x16xf32>,
          %get3A_375 = vector.shape_cast %get3A_374 : vector<1x1x16xf32> to vector<16xf32>
          %add3A_376 = arith.addf %get3A_375, %get3A_290 : vector<16xf32>
          %swap3A_377 = arith.constant 0 : i32
          %swap3A_378 = arith.index_cast %swap3A_377 : i32 to index
          %swap3A_379 = arith.index_cast %scan3A_314 : i32 to index
          %swap3A_380 = arith.constant 64 : index
          %swap3A_381 = tpu.vector_load %arg14[%swap3A_378, %swap3A_379, %swap3A_380] {strides = array<i32>} : memref<4x128x128xf32, #tpu.memory_space<vmem>>, vector<1x1x16xf32>,
          %swap3A_382 = vector.shape_cast %swap3A_381 : vector<1x1x16xf32> to vector<16xf32>
          %swap3A_383 = vector.shape_cast %add3A_376 : vector<16xf32> to vector<1x1x16xf32>
          tpu.vector_store %arg14[%swap3A_378, %swap3A_379, %swap3A_380], %swap3A_383 {strides = array<i32>} : memref<4x128x128xf32, #tpu.memory_space<vmem>>, vector<1x1x16xf32>,
          %get3A_384 = arith.constant 0 : i32
          %get3A_385 = arith.index_cast %get3A_384 : i32 to index
          %get3A_386 = arith.index_cast %scan3A_314 : i32 to index
          %get3A_387 = arith.constant 80 : index
          %get3A_388 = tpu.vector_load %arg14[%get3A_385, %get3A_386, %get3A_387] {strides = array<i32>} : memref<4x128x128xf32, #tpu.memory_space<vmem>>, vector<1x1x16xf32>,
          %get3A_389 = vector.shape_cast %get3A_388 : vector<1x1x16xf32> to vector<16xf32>
          %add3A_390 = arith.addf %get3A_389, %get3A_296 : vector<16xf32>
          %swap3A_391 = arith.constant 0 : i32
          %swap3A_392 = arith.index_cast %swap3A_391 : i32 to index
          %swap3A_393 = arith.index_cast %scan3A_314 : i32 to index
          %swap3A_394 = arith.constant 80 : index
          %swap3A_395 = tpu.vector_load %arg14[%swap3A_392, %swap3A_393, %swap3A_394] {strides = array<i32>} : memref<4x128x128xf32, #tpu.memory_space<vmem>>, vector<1x1x16xf32>,
          %swap3A_396 = vector.shape_cast %swap3A_395 : vector<1x1x16xf32> to vector<16xf32>
          %swap3A_397 = vector.shape_cast %add3A_390 : vector<16xf32> to vector<1x1x16xf32>
          tpu.vector_store %arg14[%swap3A_392, %swap3A_393, %swap3A_394], %swap3A_397 {strides = array<i32>} : memref<4x128x128xf32, #tpu.memory_space<vmem>>, vector<1x1x16xf32>,
          %get3A_398 = arith.constant 0 : i32
          %get3A_399 = arith.index_cast %get3A_398 : i32 to index
          %get3A_400 = arith.index_cast %scan3A_314 : i32 to index
          %get3A_401 = arith.constant 96 : index
          %get3A_402 = tpu.vector_load %arg14[%get3A_399, %get3A_400, %get3A_401] {strides = array<i32>} : memref<4x128x128xf32, #tpu.memory_space<vmem>>, vector<1x1x16xf32>,
          %get3A_403 = vector.shape_cast %get3A_402 : vector<1x1x16xf32> to vector<16xf32>
          %add3A_404 = arith.addf %get3A_403, %get3A_302 : vector<16xf32>
          %swap3A_405 = arith.constant 0 : i32
          %swap3A_406 = arith.index_cast %swap3A_405 : i32 to index
          %swap3A_407 = arith.index_cast %scan3A_314 : i32 to index
          %swap3A_408 = arith.constant 96 : index
          %swap3A_409 = tpu.vector_load %arg14[%swap3A_406, %swap3A_407, %swap3A_408] {strides = array<i32>} : memref<4x128x128xf32, #tpu.memory_space<vmem>>, vector<1x1x16xf32>,
          %swap3A_410 = vector.shape_cast %swap3A_409 : vector<1x1x16xf32> to vector<16xf32>
          %swap3A_411 = vector.shape_cast %add3A_404 : vector<16xf32> to vector<1x1x16xf32>
          tpu.vector_store %arg14[%swap3A_406, %swap3A_407, %swap3A_408], %swap3A_411 {strides = array<i32>} : memref<4x128x128xf32, #tpu.memory_space<vmem>>, vector<1x1x16xf32>,
          %get3A_412 = arith.constant 0 : i32
          %get3A_413 = arith.index_cast %get3A_412 : i32 to index
          %get3A_414 = arith.index_cast %scan3A_314 : i32 to index
          %get3A_415 = arith.constant 112 : index
          %get3A_416 = tpu.vector_load %arg14[%get3A_413, %get3A_414, %get3A_415] {strides = array<i32>} : memref<4x128x128xf32, #tpu.memory_space<vmem>>, vector<1x1x16xf32>,
          %get3A_417 = vector.shape_cast %get3A_416 : vector<1x1x16xf32> to vector<16xf32>
          %add3A_418 = arith.addf %get3A_417, %get3A_308 : vector<16xf32>
          %swap3A_419 = arith.constant 0 : i32
          %swap3A_420 = arith.index_cast %swap3A_419 : i32 to index
          %swap3A_421 = arith.index_cast %scan3A_314 : i32 to index
          %swap3A_422 = arith.constant 112 : index
          %swap3A_423 = tpu.vector_load %arg14[%swap3A_420, %swap3A_421, %swap3A_422] {strides = array<i32>} : memref<4x128x128xf32, #tpu.memory_space<vmem>>, vector<1x1x16xf32>,
          %swap3A_424 = vector.shape_cast %swap3A_423 : vector<1x1x16xf32> to vector<16xf32>
          %swap3A_425 = vector.shape_cast %add3A_418 : vector<16xf32> to vector<1x1x16xf32>
          tpu.vector_store %arg14[%swap3A_420, %swap3A_421, %swap3A_422], %swap3A_425 {strides = array<i32>} : memref<4x128x128xf32, #tpu.memory_space<vmem>>, vector<1x1x16xf32>,
        }
        %scan3A_313 = arith.constant 128 : i32
      } else {
      }
      %mul3A_99 = arith.constant 16384 : i32
      %mul3A_100 = arith.muli %scan3A_67, %mul3A_99 : i32
      %add3A_101 = arith.addi %mul3A_100, %mul3A_2 : i32
      %add3A_102 = arith.constant 0 : i32
      %add3A_103 = arith.addi %add3A_101, %add3A_102 : i32
      %dma_start3A = arith.constant 0 : i32
      %dma_start3A_104 = arith.constant 0 : i32
      %dma_start3A_105 = arith.constant 0 : i32
      %dma_start3A_106 = tpu.memref_slice %arg14[%dma_start3A, %dma_start3A_104, %dma_start3A_105] : memref<4x128x128xf32, #tpu.memory_space<vmem>> -> memref<1x128x128xf32, #tpu.memory_space<vmem>>
      %dma_start3A_107 = tpu.memref_squeeze %dma_start3A_106 : memref<1x128x128xf32, #tpu.memory_space<vmem>> -> memref<128x128xf32, #tpu.memory_space<vmem>>
      %dma_start3A_108 = arith.constant 0 : i32
      %dma_start3A_109 = tpu.memref_slice %arg8[%add3A_103, %dma_start3A_108] : memref<1064960x128xf32, #tpu.memory_space<hbm>> -> memref<128x128xf32, #tpu.memory_space<hbm>>
      %dma_start3A_110 = arith.constant 0 : i32
      %dma_start3A_111 = tpu.memref_slice %arg8[%add3A_103, %dma_start3A_110] : memref<1064960x128xf32, #tpu.memory_space<hbm>> -> memref<128x128xf32, #tpu.memory_space<hbm>>
      %dma_start3A_112 = arith.constant 0 : i32
      %dma_start3A_113 = arith.constant 0 : i32
      %dma_start3A_114 = tpu.memref_slice %arg14[%dma_start3A, %dma_start3A_112, %dma_start3A_113] : memref<4x128x128xf32, #tpu.memory_space<vmem>> -> memref<1x128x128xf32, #tpu.memory_space<vmem>>
      %dma_start3A_115 = tpu.memref_squeeze %dma_start3A_114 : memref<1x128x128xf32, #tpu.memory_space<vmem>> -> memref<128x128xf32, #tpu.memory_space<vmem>>
      tpu.enqueue_dma source(%dma_start3A_115 : memref<128x128xf32, #tpu.memory_space<vmem>>) target(%dma_start3A_111 : memref<128x128xf32, #tpu.memory_space<hbm>>) target_semaphore(%arg19 : memref<!tpu.dma_semaphore, #tpu.memory_space<semaphore_mem>>)
      %mul3A_116 = arith.constant 4 : i32
      %mul3A_117 = arith.muli %mul3A_116, %scan3A_67 : i32
      %add3A_118 = arith.constant 1 : i32
      %add3A_119 = arith.addi %mul3A_117, %add3A_118 : i32
      %dma_wait3A_120 = arith.constant 0 : i32
      %dma_wait3A_121 = arith.constant 1 : i32
      %dma_wait3A_122 = arith.constant 0 : i32
      %dma_wait3A_123 = arith.constant 0 : i32
      %dma_wait3A_124 = tpu.memref_slice %arg14[%dma_wait3A_121, %dma_wait3A_122, %dma_wait3A_123] : memref<4x128x128xf32, #tpu.memory_space<vmem>> -> memref<1x128x128xf32, #tpu.memory_space<vmem>>
      %dma_wait3A_125 = tpu.memref_squeeze %dma_wait3A_124 : memref<1x128x128xf32, #tpu.memory_space<vmem>> -> memref<128x128xf32, #tpu.memory_space<vmem>>
      %dma_wait3A_126 = arith.constant 0 : i32
      %dma_wait3A_127 = tpu.memref_slice %arg10[%dma_wait3A_120, %dma_wait3A_126] : memref<256x128xi32, #tpu.memory_space<vmem>> -> memref<1x128xi32, #tpu.memory_space<vmem>>
      %dma_wait3A_128 = tpu.memref_squeeze %dma_wait3A_127 : memref<1x128xi32, #tpu.memory_space<vmem>> -> memref<128xi32, #tpu.memory_space<vmem>>
      %dma_wait3A_129 = arith.constant 0 : i32
      %dma_wait3A_130 = arith.constant 0 : i32
      %dma_wait3A_131 = tpu.memref_slice %arg5[%dma_wait3A_129, %dma_wait3A_130] : memref<1000000x128xf32, #tpu.memory_space<hbm>> -> memref<1000000x128xf32, #tpu.memory_space<hbm>>
      tpu.wait_indirect_dma semaphore(%arg16 : memref<!tpu.dma_semaphore, #tpu.memory_space<semaphore_mem>>) src(%dma_wait3A_131 : memref<1000000x128xf32, #tpu.memory_space<hbm>>) dst(%dma_wait3A_125 : memref<128x128xf32, #tpu.memory_space<vmem>>)
      %ge3A_132 = arith.constant 2 : i32
      %ge3A_133 = arith.cmpi sge, %add3A_119, %ge3A_132 : i32
      %convert_element_type3A_134 = arith.extui %ge3A_133 : i1 to i32
      %cond3A_135 = arith.constant 0 : i32
      %cond3A_136 = arith.cmpi ne, %convert_element_type3A_134, %cond3A_135 : i32
      scf.if %cond3A_136 {
        %dma_wait3A_263 = arith.constant 3 : i32
        %dma_wait3A_264 = arith.constant 0 : i32
        %dma_wait3A_265 = arith.constant 0 : i32
        %dma_wait3A_266 = tpu.memref_slice %arg14[%dma_wait3A_263, %dma_wait3A_264, %dma_wait3A_265] : memref<4x128x128xf32, #tpu.memory_space<vmem>> -> memref<1x128x128xf32, #tpu.memory_space<vmem>>
        %dma_wait3A_267 = tpu.memref_squeeze %dma_wait3A_266 : memref<1x128x128xf32, #tpu.memory_space<vmem>> -> memref<128x128xf32, #tpu.memory_space<vmem>>
        %dma_wait3A_268 = arith.constant 0 : i32
        %dma_wait3A_269 = arith.constant 0 : i32
        %dma_wait3A_270 = tpu.memref_slice %arg8[%dma_wait3A_268, %dma_wait3A_269] : memref<1064960x128xf32, #tpu.memory_space<hbm>> -> memref<128x128xf32, #tpu.memory_space<hbm>>
        %dma_wait3A_271 = arith.constant 0 : i32
        %dma_wait3A_272 = arith.constant 0 : i32
        %dma_wait3A_273 = tpu.memref_slice %arg8[%dma_wait3A_271, %dma_wait3A_272] : memref<1064960x128xf32, #tpu.memory_space<hbm>> -> memref<128x128xf32, #tpu.memory_space<hbm>>
        %dma_wait3A_274 = arith.constant 0 : i32
        %dma_wait3A_275 = arith.constant 0 : i32
        %dma_wait3A_276 = tpu.memref_slice %arg14[%dma_wait3A_263, %dma_wait3A_274, %dma_wait3A_275] : memref<4x128x128xf32, #tpu.memory_space<vmem>> -> memref<1x128x128xf32, #tpu.memory_space<vmem>>
        %dma_wait3A_277 = tpu.memref_squeeze %dma_wait3A_276 : memref<1x128x128xf32, #tpu.memory_space<vmem>> -> memref<128x128xf32, #tpu.memory_space<vmem>>
        tpu.wait_dma2 semaphore(%arg22 : memref<!tpu.dma_semaphore, #tpu.memory_space<semaphore_mem>>) src(%dma_wait3A_277 : memref<128x128xf32, #tpu.memory_space<vmem>>) dst(%dma_wait3A_273 : memref<128x128xf32, #tpu.memory_space<hbm>>)
      } else {
      }
      %le3A_137 = arith.constant 257 : i32
      %le3A_138 = arith.cmpi sle, %add3A_119, %le3A_137 : i32
      %convert_element_type3A_139 = arith.extui %le3A_138 : i1 to i32
      %cond3A_140 = arith.constant 0 : i32
      %cond3A_141 = arith.cmpi ne, %convert_element_type3A_139, %cond3A_140 : i32
      scf.if %cond3A_141 {
        %add3A_263 = arith.constant 2 : i32
        %add3A_264 = arith.addi %add3A_119, %add3A_263 : i32
        %le3A_265 = arith.constant 3 : i32
        %le3A_266 = arith.cmpi sle, %add3A_264, %le3A_265 : i32
        %convert_element_type3A_267 = arith.extui %le3A_266 : i1 to i32
        %cond3A_268 = arith.constant 0 : i32
        %cond3A_269 = arith.cmpi ne, %convert_element_type3A_267, %cond3A_268 : i32
        scf.if %cond3A_269 {
          %dma_start3A_275 = arith.constant 3 : i32
          %dma_start3A_276 = arith.constant 0 : i32
          %dma_start3A_277 = arith.constant 0 : i32
          %dma_start3A_278 = tpu.memref_slice %arg14[%dma_start3A_275, %dma_start3A_276, %dma_start3A_277] : memref<4x128x128xf32, #tpu.memory_space<vmem>> -> memref<1x128x128xf32, #tpu.memory_space<vmem>>
          %dma_start3A_279 = tpu.memref_squeeze %dma_start3A_278 : memref<1x128x128xf32, #tpu.memory_space<vmem>> -> memref<128x128xf32, #tpu.memory_space<vmem>>
          %dma_start3A_280 = arith.constant 0 : i32
          %dma_start3A_281 = tpu.memref_slice %arg9[%add3A_264, %dma_start3A_280] : memref<4x128xi32, #tpu.memory_space<vmem>> -> memref<1x128xi32, #tpu.memory_space<vmem>>
          %dma_start3A_282 = tpu.memref_squeeze %dma_start3A_281 : memref<1x128xi32, #tpu.memory_space<vmem>> -> memref<128xi32, #tpu.memory_space<vmem>>
          %dma_start3A_283 = arith.constant 0 : i32
          %dma_start3A_284 = arith.constant 0 : i32
          %dma_start3A_285 = tpu.memref_slice %arg4[%dma_start3A_283, %dma_start3A_284] : memref<1000x128xf32, #tpu.memory_space<hbm>> -> memref<1000x128xf32, #tpu.memory_space<hbm>>
          tpu.enqueue_indirect_dma source(%dma_start3A_285 : memref<1000x128xf32, #tpu.memory_space<hbm>>) target(%dma_start3A_279 : memref<128x128xf32, #tpu.memory_space<vmem>>) offsets(%dma_start3A_282 : memref<128xi32, #tpu.memory_space<vmem>>) semaphore(%arg18 : memref<!tpu.dma_semaphore, #tpu.memory_space<semaphore_mem>>)
        } else {
        }
        %ge3A_270 = arith.constant 4 : i32
        %ge3A_271 = arith.cmpi sge, %add3A_264, %ge3A_270 : i32
        %convert_element_type3A_272 = arith.extui %ge3A_271 : i1 to i32
        %cond3A_273 = arith.constant 0 : i32
        %cond3A_274 = arith.cmpi ne, %convert_element_type3A_272, %cond3A_273 : i32
        scf.if %cond3A_274 {
          %sub3A = arith.constant 4 : i32
          %sub3A_275 = arith.subi %add3A_264, %sub3A : i32
          %dma_start3A_276 = arith.constant 3 : i32
          %dma_start3A_277 = arith.constant 0 : i32
          %dma_start3A_278 = arith.constant 0 : i32
          %dma_start3A_279 = tpu.memref_slice %arg14[%dma_start3A_276, %dma_start3A_277, %dma_start3A_278] : memref<4x128x128xf32, #tpu.memory_space<vmem>> -> memref<1x128x128xf32, #tpu.memory_space<vmem>>
          %dma_start3A_280 = tpu.memref_squeeze %dma_start3A_279 : memref<1x128x128xf32, #tpu.memory_space<vmem>> -> memref<128x128xf32, #tpu.memory_space<vmem>>
          %dma_start3A_281 = arith.constant 0 : i32
          %dma_start3A_282 = tpu.memref_slice %arg10[%sub3A_275, %dma_start3A_281] : memref<256x128xi32, #tpu.memory_space<vmem>> -> memref<1x128xi32, #tpu.memory_space<vmem>>
          %dma_start3A_283 = tpu.memref_squeeze %dma_start3A_282 : memref<1x128xi32, #tpu.memory_space<vmem>> -> memref<128xi32, #tpu.memory_space<vmem>>
          %dma_start3A_284 = arith.constant 0 : i32
          %dma_start3A_285 = arith.constant 0 : i32
          %dma_start3A_286 = tpu.memref_slice %arg5[%dma_start3A_284, %dma_start3A_285] : memref<1000000x128xf32, #tpu.memory_space<hbm>> -> memref<1000000x128xf32, #tpu.memory_space<hbm>>
          tpu.enqueue_indirect_dma source(%dma_start3A_286 : memref<1000000x128xf32, #tpu.memory_space<hbm>>) target(%dma_start3A_280 : memref<128x128xf32, #tpu.memory_space<vmem>>) offsets(%dma_start3A_283 : memref<128xi32, #tpu.memory_space<vmem>>) semaphore(%arg18 : memref<!tpu.dma_semaphore, #tpu.memory_space<semaphore_mem>>)
        } else {
        }
      } else {
      }
      %ge3A_142 = arith.constant 1 : i32
      %ge3A_143 = arith.cmpi sge, %scan3A_67, %ge3A_142 : i32
      %convert_element_type3A_144 = arith.extui %ge3A_143 : i1 to i32
      %cond3A_145 = arith.constant 0 : i32
      %cond3A_146 = arith.cmpi ne, %convert_element_type3A_144, %cond3A_145 : i32
      scf.if %cond3A_146 {
        %sub3A = arith.constant 1 : i32
        %sub3A_263 = arith.subi %scan3A_67, %sub3A : i32
        %get3A = arith.index_cast %sub3A_263 : i32 to index
        %get3A_264 = arith.constant 0 : index
        %get3A_265 = tpu.vector_load %arg13[%get3A, %get3A_264] {strides = array<i32>} : memref<64x128xf32, #tpu.memory_space<vmem>>, vector<1x16xf32>,
        %get3A_266 = vector.shape_cast %get3A_265 : vector<1x16xf32> to vector<16xf32>
        %sub3A_267 = arith.constant 1 : i32
        %sub3A_268 = arith.subi %scan3A_67, %sub3A_267 : i32
        %get3A_269 = arith.index_cast %sub3A_268 : i32 to index
        %get3A_270 = arith.constant 16 : index
        %get3A_271 = tpu.vector_load %arg13[%get3A_269, %get3A_270] {strides = array<i32>} : memref<64x128xf32, #tpu.memory_space<vmem>>, vector<1x16xf32>,
        %get3A_272 = vector.shape_cast %get3A_271 : vector<1x16xf32> to vector<16xf32>
        %sub3A_273 = arith.constant 1 : i32
        %sub3A_274 = arith.subi %scan3A_67, %sub3A_273 : i32
        %get3A_275 = arith.index_cast %sub3A_274 : i32 to index
        %get3A_276 = arith.constant 32 : index
        %get3A_277 = tpu.vector_load %arg13[%get3A_275, %get3A_276] {strides = array<i32>} : memref<64x128xf32, #tpu.memory_space<vmem>>, vector<1x16xf32>,
        %get3A_278 = vector.shape_cast %get3A_277 : vector<1x16xf32> to vector<16xf32>
        %sub3A_279 = arith.constant 1 : i32
        %sub3A_280 = arith.subi %scan3A_67, %sub3A_279 : i32
        %get3A_281 = arith.index_cast %sub3A_280 : i32 to index
        %get3A_282 = arith.constant 48 : index
        %get3A_283 = tpu.vector_load %arg13[%get3A_281, %get3A_282] {strides = array<i32>} : memref<64x128xf32, #tpu.memory_space<vmem>>, vector<1x16xf32>,
        %get3A_284 = vector.shape_cast %get3A_283 : vector<1x16xf32> to vector<16xf32>
        %sub3A_285 = arith.constant 1 : i32
        %sub3A_286 = arith.subi %scan3A_67, %sub3A_285 : i32
        %get3A_287 = arith.index_cast %sub3A_286 : i32 to index
        %get3A_288 = arith.constant 64 : index
        %get3A_289 = tpu.vector_load %arg13[%get3A_287, %get3A_288] {strides = array<i32>} : memref<64x128xf32, #tpu.memory_space<vmem>>, vector<1x16xf32>,
        %get3A_290 = vector.shape_cast %get3A_289 : vector<1x16xf32> to vector<16xf32>
        %sub3A_291 = arith.constant 1 : i32
        %sub3A_292 = arith.subi %scan3A_67, %sub3A_291 : i32
        %get3A_293 = arith.index_cast %sub3A_292 : i32 to index
        %get3A_294 = arith.constant 80 : index
        %get3A_295 = tpu.vector_load %arg13[%get3A_293, %get3A_294] {strides = array<i32>} : memref<64x128xf32, #tpu.memory_space<vmem>>, vector<1x16xf32>,
        %get3A_296 = vector.shape_cast %get3A_295 : vector<1x16xf32> to vector<16xf32>
        %sub3A_297 = arith.constant 1 : i32
        %sub3A_298 = arith.subi %scan3A_67, %sub3A_297 : i32
        %get3A_299 = arith.index_cast %sub3A_298 : i32 to index
        %get3A_300 = arith.constant 96 : index
        %get3A_301 = tpu.vector_load %arg13[%get3A_299, %get3A_300] {strides = array<i32>} : memref<64x128xf32, #tpu.memory_space<vmem>>, vector<1x16xf32>,
        %get3A_302 = vector.shape_cast %get3A_301 : vector<1x16xf32> to vector<16xf32>
        %sub3A_303 = arith.constant 1 : i32
        %sub3A_304 = arith.subi %scan3A_67, %sub3A_303 : i32
        %get3A_305 = arith.index_cast %sub3A_304 : i32 to index
        %get3A_306 = arith.constant 112 : index
        %get3A_307 = tpu.vector_load %arg13[%get3A_305, %get3A_306] {strides = array<i32>} : memref<64x128xf32, #tpu.memory_space<vmem>>, vector<1x16xf32>,
        %get3A_308 = vector.shape_cast %get3A_307 : vector<1x16xf32> to vector<16xf32>
        %scan3A_309 = arith.constant 0 : i32
        %scan3A_310 = arith.constant 128 : i32
        %scan3A_311 = arith.addi %scan3A_309, %scan3A_310 : i32
        %scan3A_312 = arith.constant 1 : i32
        scf.for %scan3A_314 = %scan3A_309 to %scan3A_311 step %scan3A_312  : i32 {
          %get3A_315 = arith.constant 1 : i32
          %get3A_316 = arith.index_cast %get3A_315 : i32 to index
          %get3A_317 = arith.index_cast %scan3A_314 : i32 to index
          %get3A_318 = arith.constant 0 : index
          %get3A_319 = tpu.vector_load %arg14[%get3A_316, %get3A_317, %get3A_318] {strides = array<i32>} : memref<4x128x128xf32, #tpu.memory_space<vmem>>, vector<1x1x16xf32>,
          %get3A_320 = vector.shape_cast %get3A_319 : vector<1x1x16xf32> to vector<16xf32>
          %add3A_321 = arith.addf %get3A_320, %get3A_266 : vector<16xf32>
          %swap3A = arith.constant 1 : i32
          %swap3A_322 = arith.index_cast %swap3A : i32 to index
          %swap3A_323 = arith.index_cast %scan3A_314 : i32 to index
          %swap3A_324 = arith.constant 0 : index
          %swap3A_325 = tpu.vector_load %arg14[%swap3A_322, %swap3A_323, %swap3A_324] {strides = array<i32>} : memref<4x128x128xf32, #tpu.memory_space<vmem>>, vector<1x1x16xf32>,
          %swap3A_326 = vector.shape_cast %swap3A_325 : vector<1x1x16xf32> to vector<16xf32>
          %swap3A_327 = vector.shape_cast %add3A_321 : vector<16xf32> to vector<1x1x16xf32>
          tpu.vector_store %arg14[%swap3A_322, %swap3A_323, %swap3A_324], %swap3A_327 {strides = array<i32>} : memref<4x128x128xf32, #tpu.memory_space<vmem>>, vector<1x1x16xf32>,
          %get3A_328 = arith.constant 1 : i32
          %get3A_329 = arith.index_cast %get3A_328 : i32 to index
          %get3A_330 = arith.index_cast %scan3A_314 : i32 to index
          %get3A_331 = arith.constant 16 : index
          %get3A_332 = tpu.vector_load %arg14[%get3A_329, %get3A_330, %get3A_331] {strides = array<i32>} : memref<4x128x128xf32, #tpu.memory_space<vmem>>, vector<1x1x16xf32>,
          %get3A_333 = vector.shape_cast %get3A_332 : vector<1x1x16xf32> to vector<16xf32>
          %add3A_334 = arith.addf %get3A_333, %get3A_272 : vector<16xf32>
          %swap3A_335 = arith.constant 1 : i32
          %swap3A_336 = arith.index_cast %swap3A_335 : i32 to index
          %swap3A_337 = arith.index_cast %scan3A_314 : i32 to index
          %swap3A_338 = arith.constant 16 : index
          %swap3A_339 = tpu.vector_load %arg14[%swap3A_336, %swap3A_337, %swap3A_338] {strides = array<i32>} : memref<4x128x128xf32, #tpu.memory_space<vmem>>, vector<1x1x16xf32>,
          %swap3A_340 = vector.shape_cast %swap3A_339 : vector<1x1x16xf32> to vector<16xf32>
          %swap3A_341 = vector.shape_cast %add3A_334 : vector<16xf32> to vector<1x1x16xf32>
          tpu.vector_store %arg14[%swap3A_336, %swap3A_337, %swap3A_338], %swap3A_341 {strides = array<i32>} : memref<4x128x128xf32, #tpu.memory_space<vmem>>, vector<1x1x16xf32>,
          %get3A_342 = arith.constant 1 : i32
          %get3A_343 = arith.index_cast %get3A_342 : i32 to index
          %get3A_344 = arith.index_cast %scan3A_314 : i32 to index
          %get3A_345 = arith.constant 32 : index
          %get3A_346 = tpu.vector_load %arg14[%get3A_343, %get3A_344, %get3A_345] {strides = array<i32>} : memref<4x128x128xf32, #tpu.memory_space<vmem>>, vector<1x1x16xf32>,
          %get3A_347 = vector.shape_cast %get3A_346 : vector<1x1x16xf32> to vector<16xf32>
          %add3A_348 = arith.addf %get3A_347, %get3A_278 : vector<16xf32>
          %swap3A_349 = arith.constant 1 : i32
          %swap3A_350 = arith.index_cast %swap3A_349 : i32 to index
          %swap3A_351 = arith.index_cast %scan3A_314 : i32 to index
          %swap3A_352 = arith.constant 32 : index
          %swap3A_353 = tpu.vector_load %arg14[%swap3A_350, %swap3A_351, %swap3A_352] {strides = array<i32>} : memref<4x128x128xf32, #tpu.memory_space<vmem>>, vector<1x1x16xf32>,
          %swap3A_354 = vector.shape_cast %swap3A_353 : vector<1x1x16xf32> to vector<16xf32>
          %swap3A_355 = vector.shape_cast %add3A_348 : vector<16xf32> to vector<1x1x16xf32>
          tpu.vector_store %arg14[%swap3A_350, %swap3A_351, %swap3A_352], %swap3A_355 {strides = array<i32>} : memref<4x128x128xf32, #tpu.memory_space<vmem>>, vector<1x1x16xf32>,
          %get3A_356 = arith.constant 1 : i32
          %get3A_357 = arith.index_cast %get3A_356 : i32 to index
          %get3A_358 = arith.index_cast %scan3A_314 : i32 to index
          %get3A_359 = arith.constant 48 : index
          %get3A_360 = tpu.vector_load %arg14[%get3A_357, %get3A_358, %get3A_359] {strides = array<i32>} : memref<4x128x128xf32, #tpu.memory_space<vmem>>, vector<1x1x16xf32>,
          %get3A_361 = vector.shape_cast %get3A_360 : vector<1x1x16xf32> to vector<16xf32>
          %add3A_362 = arith.addf %get3A_361, %get3A_284 : vector<16xf32>
          %swap3A_363 = arith.constant 1 : i32
          %swap3A_364 = arith.index_cast %swap3A_363 : i32 to index
          %swap3A_365 = arith.index_cast %scan3A_314 : i32 to index
          %swap3A_366 = arith.constant 48 : index
          %swap3A_367 = tpu.vector_load %arg14[%swap3A_364, %swap3A_365, %swap3A_366] {strides = array<i32>} : memref<4x128x128xf32, #tpu.memory_space<vmem>>, vector<1x1x16xf32>,
          %swap3A_368 = vector.shape_cast %swap3A_367 : vector<1x1x16xf32> to vector<16xf32>
          %swap3A_369 = vector.shape_cast %add3A_362 : vector<16xf32> to vector<1x1x16xf32>
          tpu.vector_store %arg14[%swap3A_364, %swap3A_365, %swap3A_366], %swap3A_369 {strides = array<i32>} : memref<4x128x128xf32, #tpu.memory_space<vmem>>, vector<1x1x16xf32>,
          %get3A_370 = arith.constant 1 : i32
          %get3A_371 = arith.index_cast %get3A_370 : i32 to index
          %get3A_372 = arith.index_cast %scan3A_314 : i32 to index
          %get3A_373 = arith.constant 64 : index
          %get3A_374 = tpu.vector_load %arg14[%get3A_371, %get3A_372, %get3A_373] {strides = array<i32>} : memref<4x128x128xf32, #tpu.memory_space<vmem>>, vector<1x1x16xf32>,
          %get3A_375 = vector.shape_cast %get3A_374 : vector<1x1x16xf32> to vector<16xf32>
          %add3A_376 = arith.addf %get3A_375, %get3A_290 : vector<16xf32>
          %swap3A_377 = arith.constant 1 : i32
          %swap3A_378 = arith.index_cast %swap3A_377 : i32 to index
          %swap3A_379 = arith.index_cast %scan3A_314 : i32 to index
          %swap3A_380 = arith.constant 64 : index
          %swap3A_381 = tpu.vector_load %arg14[%swap3A_378, %swap3A_379, %swap3A_380] {strides = array<i32>} : memref<4x128x128xf32, #tpu.memory_space<vmem>>, vector<1x1x16xf32>,
          %swap3A_382 = vector.shape_cast %swap3A_381 : vector<1x1x16xf32> to vector<16xf32>
          %swap3A_383 = vector.shape_cast %add3A_376 : vector<16xf32> to vector<1x1x16xf32>
          tpu.vector_store %arg14[%swap3A_378, %swap3A_379, %swap3A_380], %swap3A_383 {strides = array<i32>} : memref<4x128x128xf32, #tpu.memory_space<vmem>>, vector<1x1x16xf32>,
          %get3A_384 = arith.constant 1 : i32
          %get3A_385 = arith.index_cast %get3A_384 : i32 to index
          %get3A_386 = arith.index_cast %scan3A_314 : i32 to index
          %get3A_387 = arith.constant 80 : index
          %get3A_388 = tpu.vector_load %arg14[%get3A_385, %get3A_386, %get3A_387] {strides = array<i32>} : memref<4x128x128xf32, #tpu.memory_space<vmem>>, vector<1x1x16xf32>,
          %get3A_389 = vector.shape_cast %get3A_388 : vector<1x1x16xf32> to vector<16xf32>
          %add3A_390 = arith.addf %get3A_389, %get3A_296 : vector<16xf32>
          %swap3A_391 = arith.constant 1 : i32
          %swap3A_392 = arith.index_cast %swap3A_391 : i32 to index
          %swap3A_393 = arith.index_cast %scan3A_314 : i32 to index
          %swap3A_394 = arith.constant 80 : index
          %swap3A_395 = tpu.vector_load %arg14[%swap3A_392, %swap3A_393, %swap3A_394] {strides = array<i32>} : memref<4x128x128xf32, #tpu.memory_space<vmem>>, vector<1x1x16xf32>,
          %swap3A_396 = vector.shape_cast %swap3A_395 : vector<1x1x16xf32> to vector<16xf32>
          %swap3A_397 = vector.shape_cast %add3A_390 : vector<16xf32> to vector<1x1x16xf32>
          tpu.vector_store %arg14[%swap3A_392, %swap3A_393, %swap3A_394], %swap3A_397 {strides = array<i32>} : memref<4x128x128xf32, #tpu.memory_space<vmem>>, vector<1x1x16xf32>,
          %get3A_398 = arith.constant 1 : i32
          %get3A_399 = arith.index_cast %get3A_398 : i32 to index
          %get3A_400 = arith.index_cast %scan3A_314 : i32 to index
          %get3A_401 = arith.constant 96 : index
          %get3A_402 = tpu.vector_load %arg14[%get3A_399, %get3A_400, %get3A_401] {strides = array<i32>} : memref<4x128x128xf32, #tpu.memory_space<vmem>>, vector<1x1x16xf32>,
          %get3A_403 = vector.shape_cast %get3A_402 : vector<1x1x16xf32> to vector<16xf32>
          %add3A_404 = arith.addf %get3A_403, %get3A_302 : vector<16xf32>
          %swap3A_405 = arith.constant 1 : i32
          %swap3A_406 = arith.index_cast %swap3A_405 : i32 to index
          %swap3A_407 = arith.index_cast %scan3A_314 : i32 to index
          %swap3A_408 = arith.constant 96 : index
          %swap3A_409 = tpu.vector_load %arg14[%swap3A_406, %swap3A_407, %swap3A_408] {strides = array<i32>} : memref<4x128x128xf32, #tpu.memory_space<vmem>>, vector<1x1x16xf32>,
          %swap3A_410 = vector.shape_cast %swap3A_409 : vector<1x1x16xf32> to vector<16xf32>
          %swap3A_411 = vector.shape_cast %add3A_404 : vector<16xf32> to vector<1x1x16xf32>
          tpu.vector_store %arg14[%swap3A_406, %swap3A_407, %swap3A_408], %swap3A_411 {strides = array<i32>} : memref<4x128x128xf32, #tpu.memory_space<vmem>>, vector<1x1x16xf32>,
          %get3A_412 = arith.constant 1 : i32
          %get3A_413 = arith.index_cast %get3A_412 : i32 to index
          %get3A_414 = arith.index_cast %scan3A_314 : i32 to index
          %get3A_415 = arith.constant 112 : index
          %get3A_416 = tpu.vector_load %arg14[%get3A_413, %get3A_414, %get3A_415] {strides = array<i32>} : memref<4x128x128xf32, #tpu.memory_space<vmem>>, vector<1x1x16xf32>,
          %get3A_417 = vector.shape_cast %get3A_416 : vector<1x1x16xf32> to vector<16xf32>
          %add3A_418 = arith.addf %get3A_417, %get3A_308 : vector<16xf32>
          %swap3A_419 = arith.constant 1 : i32
          %swap3A_420 = arith.index_cast %swap3A_419 : i32 to index
          %swap3A_421 = arith.index_cast %scan3A_314 : i32 to index
          %swap3A_422 = arith.constant 112 : index
          %swap3A_423 = tpu.vector_load %arg14[%swap3A_420, %swap3A_421, %swap3A_422] {strides = array<i32>} : memref<4x128x128xf32, #tpu.memory_space<vmem>>, vector<1x1x16xf32>,
          %swap3A_424 = vector.shape_cast %swap3A_423 : vector<1x1x16xf32> to vector<16xf32>
          %swap3A_425 = vector.shape_cast %add3A_418 : vector<16xf32> to vector<1x1x16xf32>
          tpu.vector_store %arg14[%swap3A_420, %swap3A_421, %swap3A_422], %swap3A_425 {strides = array<i32>} : memref<4x128x128xf32, #tpu.memory_space<vmem>>, vector<1x1x16xf32>,
        }
        %scan3A_313 = arith.constant 128 : i32
      } else {
      }
      %mul3A_147 = arith.constant 16384 : i32
      %mul3A_148 = arith.muli %scan3A_67, %mul3A_147 : i32
      %add3A_149 = arith.addi %mul3A_148, %mul3A_2 : i32
      %add3A_150 = arith.constant 128 : i32
      %add3A_151 = arith.addi %add3A_149, %add3A_150 : i32
      %dma_start3A_152 = arith.constant 1 : i32
      %dma_start3A_153 = arith.constant 0 : i32
      %dma_start3A_154 = arith.constant 0 : i32
      %dma_start3A_155 = tpu.memref_slice %arg14[%dma_start3A_152, %dma_start3A_153, %dma_start3A_154] : memref<4x128x128xf32, #tpu.memory_space<vmem>> -> memref<1x128x128xf32, #tpu.memory_space<vmem>>
      %dma_start3A_156 = tpu.memref_squeeze %dma_start3A_155 : memref<1x128x128xf32, #tpu.memory_space<vmem>> -> memref<128x128xf32, #tpu.memory_space<vmem>>
      %dma_start3A_157 = arith.constant 0 : i32
      %dma_start3A_158 = tpu.memref_slice %arg8[%add3A_151, %dma_start3A_157] : memref<1064960x128xf32, #tpu.memory_space<hbm>> -> memref<128x128xf32, #tpu.memory_space<hbm>>
      %dma_start3A_159 = arith.constant 0 : i32
      %dma_start3A_160 = tpu.memref_slice %arg8[%add3A_151, %dma_start3A_159] : memref<1064960x128xf32, #tpu.memory_space<hbm>> -> memref<128x128xf32, #tpu.memory_space<hbm>>
      %dma_start3A_161 = arith.constant 0 : i32
      %dma_start3A_162 = arith.constant 0 : i32
      %dma_start3A_163 = tpu.memref_slice %arg14[%dma_start3A_152, %dma_start3A_161, %dma_start3A_162] : memref<4x128x128xf32, #tpu.memory_space<vmem>> -> memref<1x128x128xf32, #tpu.memory_space<vmem>>
      %dma_start3A_164 = tpu.memref_squeeze %dma_start3A_163 : memref<1x128x128xf32, #tpu.memory_space<vmem>> -> memref<128x128xf32, #tpu.memory_space<vmem>>
      tpu.enqueue_dma source(%dma_start3A_164 : memref<128x128xf32, #tpu.memory_space<vmem>>) target(%dma_start3A_160 : memref<128x128xf32, #tpu.memory_space<hbm>>) target_semaphore(%arg20 : memref<!tpu.dma_semaphore, #tpu.memory_space<semaphore_mem>>)
      %mul3A_165 = arith.constant 4 : i32
      %mul3A_166 = arith.muli %mul3A_165, %scan3A_67 : i32
      %add3A_167 = arith.constant 2 : i32
      %add3A_168 = arith.addi %mul3A_166, %add3A_167 : i32
      %dma_wait3A_169 = arith.constant 0 : i32
      %dma_wait3A_170 = arith.constant 2 : i32
      %dma_wait3A_171 = arith.constant 0 : i32
      %dma_wait3A_172 = arith.constant 0 : i32
      %dma_wait3A_173 = tpu.memref_slice %arg14[%dma_wait3A_170, %dma_wait3A_171, %dma_wait3A_172] : memref<4x128x128xf32, #tpu.memory_space<vmem>> -> memref<1x128x128xf32, #tpu.memory_space<vmem>>
      %dma_wait3A_174 = tpu.memref_squeeze %dma_wait3A_173 : memref<1x128x128xf32, #tpu.memory_space<vmem>> -> memref<128x128xf32, #tpu.memory_space<vmem>>
      %dma_wait3A_175 = arith.constant 0 : i32
      %dma_wait3A_176 = tpu.memref_slice %arg10[%dma_wait3A_169, %dma_wait3A_175] : memref<256x128xi32, #tpu.memory_space<vmem>> -> memref<1x128xi32, #tpu.memory_space<vmem>>
      %dma_wait3A_177 = tpu.memref_squeeze %dma_wait3A_176 : memref<1x128xi32, #tpu.memory_space<vmem>> -> memref<128xi32, #tpu.memory_space<vmem>>
      %dma_wait3A_178 = arith.constant 0 : i32
      %dma_wait3A_179 = arith.constant 0 : i32
      %dma_wait3A_180 = tpu.memref_slice %arg5[%dma_wait3A_178, %dma_wait3A_179] : memref<1000000x128xf32, #tpu.memory_space<hbm>> -> memref<1000000x128xf32, #tpu.memory_space<hbm>>
      tpu.wait_indirect_dma semaphore(%arg17 : memref<!tpu.dma_semaphore, #tpu.memory_space<semaphore_mem>>) src(%dma_wait3A_180 : memref<1000000x128xf32, #tpu.memory_space<hbm>>) dst(%dma_wait3A_174 : memref<128x128xf32, #tpu.memory_space<vmem>>)
      %ge3A_181 = arith.constant 2 : i32
      %ge3A_182 = arith.cmpi sge, %add3A_168, %ge3A_181 : i32
      %convert_element_type3A_183 = arith.extui %ge3A_182 : i1 to i32
      %cond3A_184 = arith.constant 0 : i32
      %cond3A_185 = arith.cmpi ne, %convert_element_type3A_183, %cond3A_184 : i32
      scf.if %cond3A_185 {
        %dma_wait3A_263 = arith.constant 0 : i32
        %dma_wait3A_264 = arith.constant 0 : i32
        %dma_wait3A_265 = arith.constant 0 : i32
        %dma_wait3A_266 = tpu.memref_slice %arg14[%dma_wait3A_263, %dma_wait3A_264, %dma_wait3A_265] : memref<4x128x128xf32, #tpu.memory_space<vmem>> -> memref<1x128x128xf32, #tpu.memory_space<vmem>>
        %dma_wait3A_267 = tpu.memref_squeeze %dma_wait3A_266 : memref<1x128x128xf32, #tpu.memory_space<vmem>> -> memref<128x128xf32, #tpu.memory_space<vmem>>
        %dma_wait3A_268 = arith.constant 0 : i32
        %dma_wait3A_269 = arith.constant 0 : i32
        %dma_wait3A_270 = tpu.memref_slice %arg8[%dma_wait3A_268, %dma_wait3A_269] : memref<1064960x128xf32, #tpu.memory_space<hbm>> -> memref<128x128xf32, #tpu.memory_space<hbm>>
        %dma_wait3A_271 = arith.constant 0 : i32
        %dma_wait3A_272 = arith.constant 0 : i32
        %dma_wait3A_273 = tpu.memref_slice %arg8[%dma_wait3A_271, %dma_wait3A_272] : memref<1064960x128xf32, #tpu.memory_space<hbm>> -> memref<128x128xf32, #tpu.memory_space<hbm>>
        %dma_wait3A_274 = arith.constant 0 : i32
        %dma_wait3A_275 = arith.constant 0 : i32
        %dma_wait3A_276 = tpu.memref_slice %arg14[%dma_wait3A_263, %dma_wait3A_274, %dma_wait3A_275] : memref<4x128x128xf32, #tpu.memory_space<vmem>> -> memref<1x128x128xf32, #tpu.memory_space<vmem>>
        %dma_wait3A_277 = tpu.memref_squeeze %dma_wait3A_276 : memref<1x128x128xf32, #tpu.memory_space<vmem>> -> memref<128x128xf32, #tpu.memory_space<vmem>>
        tpu.wait_dma2 semaphore(%arg19 : memref<!tpu.dma_semaphore, #tpu.memory_space<semaphore_mem>>) src(%dma_wait3A_277 : memref<128x128xf32, #tpu.memory_space<vmem>>) dst(%dma_wait3A_273 : memref<128x128xf32, #tpu.memory_space<hbm>>)
      } else {
      }
      %le3A_186 = arith.constant 257 : i32
      %le3A_187 = arith.cmpi sle, %add3A_168, %le3A_186 : i32
      %convert_element_type3A_188 = arith.extui %le3A_187 : i1 to i32
      %cond3A_189 = arith.constant 0 : i32
      %cond3A_190 = arith.cmpi ne, %convert_element_type3A_188, %cond3A_189 : i32
      scf.if %cond3A_190 {
        %add3A_263 = arith.constant 2 : i32
        %add3A_264 = arith.addi %add3A_168, %add3A_263 : i32
        %le3A_265 = arith.constant 3 : i32
        %le3A_266 = arith.cmpi sle, %add3A_264, %le3A_265 : i32
        %convert_element_type3A_267 = arith.extui %le3A_266 : i1 to i32
        %cond3A_268 = arith.constant 0 : i32
        %cond3A_269 = arith.cmpi ne, %convert_element_type3A_267, %cond3A_268 : i32
        scf.if %cond3A_269 {
          %dma_start3A_275 = arith.constant 0 : i32
          %dma_start3A_276 = arith.constant 0 : i32
          %dma_start3A_277 = arith.constant 0 : i32
          %dma_start3A_278 = tpu.memref_slice %arg14[%dma_start3A_275, %dma_start3A_276, %dma_start3A_277] : memref<4x128x128xf32, #tpu.memory_space<vmem>> -> memref<1x128x128xf32, #tpu.memory_space<vmem>>
          %dma_start3A_279 = tpu.memref_squeeze %dma_start3A_278 : memref<1x128x128xf32, #tpu.memory_space<vmem>> -> memref<128x128xf32, #tpu.memory_space<vmem>>
          %dma_start3A_280 = arith.constant 0 : i32
          %dma_start3A_281 = tpu.memref_slice %arg9[%add3A_264, %dma_start3A_280] : memref<4x128xi32, #tpu.memory_space<vmem>> -> memref<1x128xi32, #tpu.memory_space<vmem>>
          %dma_start3A_282 = tpu.memref_squeeze %dma_start3A_281 : memref<1x128xi32, #tpu.memory_space<vmem>> -> memref<128xi32, #tpu.memory_space<vmem>>
          %dma_start3A_283 = arith.constant 0 : i32
          %dma_start3A_284 = arith.constant 0 : i32
          %dma_start3A_285 = tpu.memref_slice %arg4[%dma_start3A_283, %dma_start3A_284] : memref<1000x128xf32, #tpu.memory_space<hbm>> -> memref<1000x128xf32, #tpu.memory_space<hbm>>
          tpu.enqueue_indirect_dma source(%dma_start3A_285 : memref<1000x128xf32, #tpu.memory_space<hbm>>) target(%dma_start3A_279 : memref<128x128xf32, #tpu.memory_space<vmem>>) offsets(%dma_start3A_282 : memref<128xi32, #tpu.memory_space<vmem>>) semaphore(%arg15 : memref<!tpu.dma_semaphore, #tpu.memory_space<semaphore_mem>>)
        } else {
        }
        %ge3A_270 = arith.constant 4 : i32
        %ge3A_271 = arith.cmpi sge, %add3A_264, %ge3A_270 : i32
        %convert_element_type3A_272 = arith.extui %ge3A_271 : i1 to i32
        %cond3A_273 = arith.constant 0 : i32
        %cond3A_274 = arith.cmpi ne, %convert_element_type3A_272, %cond3A_273 : i32
        scf.if %cond3A_274 {
          %sub3A = arith.constant 4 : i32
          %sub3A_275 = arith.subi %add3A_264, %sub3A : i32
          %dma_start3A_276 = arith.constant 0 : i32
          %dma_start3A_277 = arith.constant 0 : i32
          %dma_start3A_278 = arith.constant 0 : i32
          %dma_start3A_279 = tpu.memref_slice %arg14[%dma_start3A_276, %dma_start3A_277, %dma_start3A_278] : memref<4x128x128xf32, #tpu.memory_space<vmem>> -> memref<1x128x128xf32, #tpu.memory_space<vmem>>
          %dma_start3A_280 = tpu.memref_squeeze %dma_start3A_279 : memref<1x128x128xf32, #tpu.memory_space<vmem>> -> memref<128x128xf32, #tpu.memory_space<vmem>>
          %dma_start3A_281 = arith.constant 0 : i32
          %dma_start3A_282 = tpu.memref_slice %arg10[%sub3A_275, %dma_start3A_281] : memref<256x128xi32, #tpu.memory_space<vmem>> -> memref<1x128xi32, #tpu.memory_space<vmem>>
          %dma_start3A_283 = tpu.memref_squeeze %dma_start3A_282 : memref<1x128xi32, #tpu.memory_space<vmem>> -> memref<128xi32, #tpu.memory_space<vmem>>
          %dma_start3A_284 = arith.constant 0 : i32
          %dma_start3A_285 = arith.constant 0 : i32
          %dma_start3A_286 = tpu.memref_slice %arg5[%dma_start3A_284, %dma_start3A_285] : memref<1000000x128xf32, #tpu.memory_space<hbm>> -> memref<1000000x128xf32, #tpu.memory_space<hbm>>
          tpu.enqueue_indirect_dma source(%dma_start3A_286 : memref<1000000x128xf32, #tpu.memory_space<hbm>>) target(%dma_start3A_280 : memref<128x128xf32, #tpu.memory_space<vmem>>) offsets(%dma_start3A_283 : memref<128xi32, #tpu.memory_space<vmem>>) semaphore(%arg15 : memref<!tpu.dma_semaphore, #tpu.memory_space<semaphore_mem>>)
        } else {
        }
      } else {
      }
      %ge3A_191 = arith.constant 1 : i32
      %ge3A_192 = arith.cmpi sge, %scan3A_67, %ge3A_191 : i32
      %convert_element_type3A_193 = arith.extui %ge3A_192 : i1 to i32
      %cond3A_194 = arith.constant 0 : i32
      %cond3A_195 = arith.cmpi ne, %convert_element_type3A_193, %cond3A_194 : i32
      scf.if %cond3A_195 {
        %sub3A = arith.constant 1 : i32
        %sub3A_263 = arith.subi %scan3A_67, %sub3A : i32
        %get3A = arith.index_cast %sub3A_263 : i32 to index
        %get3A_264 = arith.constant 0 : index
        %get3A_265 = tpu.vector_load %arg13[%get3A, %get3A_264] {strides = array<i32>} : memref<64x128xf32, #tpu.memory_space<vmem>>, vector<1x16xf32>,
        %get3A_266 = vector.shape_cast %get3A_265 : vector<1x16xf32> to vector<16xf32>
        %sub3A_267 = arith.constant 1 : i32
        %sub3A_268 = arith.subi %scan3A_67, %sub3A_267 : i32
        %get3A_269 = arith.index_cast %sub3A_268 : i32 to index
        %get3A_270 = arith.constant 16 : index
        %get3A_271 = tpu.vector_load %arg13[%get3A_269, %get3A_270] {strides = array<i32>} : memref<64x128xf32, #tpu.memory_space<vmem>>, vector<1x16xf32>,
        %get3A_272 = vector.shape_cast %get3A_271 : vector<1x16xf32> to vector<16xf32>
        %sub3A_273 = arith.constant 1 : i32
        %sub3A_274 = arith.subi %scan3A_67, %sub3A_273 : i32
        %get3A_275 = arith.index_cast %sub3A_274 : i32 to index
        %get3A_276 = arith.constant 32 : index
        %get3A_277 = tpu.vector_load %arg13[%get3A_275, %get3A_276] {strides = array<i32>} : memref<64x128xf32, #tpu.memory_space<vmem>>, vector<1x16xf32>,
        %get3A_278 = vector.shape_cast %get3A_277 : vector<1x16xf32> to vector<16xf32>
        %sub3A_279 = arith.constant 1 : i32
        %sub3A_280 = arith.subi %scan3A_67, %sub3A_279 : i32
        %get3A_281 = arith.index_cast %sub3A_280 : i32 to index
        %get3A_282 = arith.constant 48 : index
        %get3A_283 = tpu.vector_load %arg13[%get3A_281, %get3A_282] {strides = array<i32>} : memref<64x128xf32, #tpu.memory_space<vmem>>, vector<1x16xf32>,
        %get3A_284 = vector.shape_cast %get3A_283 : vector<1x16xf32> to vector<16xf32>
        %sub3A_285 = arith.constant 1 : i32
        %sub3A_286 = arith.subi %scan3A_67, %sub3A_285 : i32
        %get3A_287 = arith.index_cast %sub3A_286 : i32 to index
        %get3A_288 = arith.constant 64 : index
        %get3A_289 = tpu.vector_load %arg13[%get3A_287, %get3A_288] {strides = array<i32>} : memref<64x128xf32, #tpu.memory_space<vmem>>, vector<1x16xf32>,
        %get3A_290 = vector.shape_cast %get3A_289 : vector<1x16xf32> to vector<16xf32>
        %sub3A_291 = arith.constant 1 : i32
        %sub3A_292 = arith.subi %scan3A_67, %sub3A_291 : i32
        %get3A_293 = arith.index_cast %sub3A_292 : i32 to index
        %get3A_294 = arith.constant 80 : index
        %get3A_295 = tpu.vector_load %arg13[%get3A_293, %get3A_294] {strides = array<i32>} : memref<64x128xf32, #tpu.memory_space<vmem>>, vector<1x16xf32>,
        %get3A_296 = vector.shape_cast %get3A_295 : vector<1x16xf32> to vector<16xf32>
        %sub3A_297 = arith.constant 1 : i32
        %sub3A_298 = arith.subi %scan3A_67, %sub3A_297 : i32
        %get3A_299 = arith.index_cast %sub3A_298 : i32 to index
        %get3A_300 = arith.constant 96 : index
        %get3A_301 = tpu.vector_load %arg13[%get3A_299, %get3A_300] {strides = array<i32>} : memref<64x128xf32, #tpu.memory_space<vmem>>, vector<1x16xf32>,
        %get3A_302 = vector.shape_cast %get3A_301 : vector<1x16xf32> to vector<16xf32>
        %sub3A_303 = arith.constant 1 : i32
        %sub3A_304 = arith.subi %scan3A_67, %sub3A_303 : i32
        %get3A_305 = arith.index_cast %sub3A_304 : i32 to index
        %get3A_306 = arith.constant 112 : index
        %get3A_307 = tpu.vector_load %arg13[%get3A_305, %get3A_306] {strides = array<i32>} : memref<64x128xf32, #tpu.memory_space<vmem>>, vector<1x16xf32>,
        %get3A_308 = vector.shape_cast %get3A_307 : vector<1x16xf32> to vector<16xf32>
        %scan3A_309 = arith.constant 0 : i32
        %scan3A_310 = arith.constant 128 : i32
        %scan3A_311 = arith.addi %scan3A_309, %scan3A_310 : i32
        %scan3A_312 = arith.constant 1 : i32
        scf.for %scan3A_314 = %scan3A_309 to %scan3A_311 step %scan3A_312  : i32 {
          %get3A_315 = arith.constant 2 : i32
          %get3A_316 = arith.index_cast %get3A_315 : i32 to index
          %get3A_317 = arith.index_cast %scan3A_314 : i32 to index
          %get3A_318 = arith.constant 0 : index
          %get3A_319 = tpu.vector_load %arg14[%get3A_316, %get3A_317, %get3A_318] {strides = array<i32>} : memref<4x128x128xf32, #tpu.memory_space<vmem>>, vector<1x1x16xf32>,
          %get3A_320 = vector.shape_cast %get3A_319 : vector<1x1x16xf32> to vector<16xf32>
          %add3A_321 = arith.addf %get3A_320, %get3A_266 : vector<16xf32>
          %swap3A = arith.constant 2 : i32
          %swap3A_322 = arith.index_cast %swap3A : i32 to index
          %swap3A_323 = arith.index_cast %scan3A_314 : i32 to index
          %swap3A_324 = arith.constant 0 : index
          %swap3A_325 = tpu.vector_load %arg14[%swap3A_322, %swap3A_323, %swap3A_324] {strides = array<i32>} : memref<4x128x128xf32, #tpu.memory_space<vmem>>, vector<1x1x16xf32>,
          %swap3A_326 = vector.shape_cast %swap3A_325 : vector<1x1x16xf32> to vector<16xf32>
          %swap3A_327 = vector.shape_cast %add3A_321 : vector<16xf32> to vector<1x1x16xf32>
          tpu.vector_store %arg14[%swap3A_322, %swap3A_323, %swap3A_324], %swap3A_327 {strides = array<i32>} : memref<4x128x128xf32, #tpu.memory_space<vmem>>, vector<1x1x16xf32>,
          %get3A_328 = arith.constant 2 : i32
          %get3A_329 = arith.index_cast %get3A_328 : i32 to index
          %get3A_330 = arith.index_cast %scan3A_314 : i32 to index
          %get3A_331 = arith.constant 16 : index
          %get3A_332 = tpu.vector_load %arg14[%get3A_329, %get3A_330, %get3A_331] {strides = array<i32>} : memref<4x128x128xf32, #tpu.memory_space<vmem>>, vector<1x1x16xf32>,
          %get3A_333 = vector.shape_cast %get3A_332 : vector<1x1x16xf32> to vector<16xf32>
          %add3A_334 = arith.addf %get3A_333, %get3A_272 : vector<16xf32>
          %swap3A_335 = arith.constant 2 : i32
          %swap3A_336 = arith.index_cast %swap3A_335 : i32 to index
          %swap3A_337 = arith.index_cast %scan3A_314 : i32 to index
          %swap3A_338 = arith.constant 16 : index
          %swap3A_339 = tpu.vector_load %arg14[%swap3A_336, %swap3A_337, %swap3A_338] {strides = array<i32>} : memref<4x128x128xf32, #tpu.memory_space<vmem>>, vector<1x1x16xf32>,
          %swap3A_340 = vector.shape_cast %swap3A_339 : vector<1x1x16xf32> to vector<16xf32>
          %swap3A_341 = vector.shape_cast %add3A_334 : vector<16xf32> to vector<1x1x16xf32>
          tpu.vector_store %arg14[%swap3A_336, %swap3A_337, %swap3A_338], %swap3A_341 {strides = array<i32>} : memref<4x128x128xf32, #tpu.memory_space<vmem>>, vector<1x1x16xf32>,
          %get3A_342 = arith.constant 2 : i32
          %get3A_343 = arith.index_cast %get3A_342 : i32 to index
          %get3A_344 = arith.index_cast %scan3A_314 : i32 to index
          %get3A_345 = arith.constant 32 : index
          %get3A_346 = tpu.vector_load %arg14[%get3A_343, %get3A_344, %get3A_345] {strides = array<i32>} : memref<4x128x128xf32, #tpu.memory_space<vmem>>, vector<1x1x16xf32>,
          %get3A_347 = vector.shape_cast %get3A_346 : vector<1x1x16xf32> to vector<16xf32>
          %add3A_348 = arith.addf %get3A_347, %get3A_278 : vector<16xf32>
          %swap3A_349 = arith.constant 2 : i32
          %swap3A_350 = arith.index_cast %swap3A_349 : i32 to index
          %swap3A_351 = arith.index_cast %scan3A_314 : i32 to index
          %swap3A_352 = arith.constant 32 : index
          %swap3A_353 = tpu.vector_load %arg14[%swap3A_350, %swap3A_351, %swap3A_352] {strides = array<i32>} : memref<4x128x128xf32, #tpu.memory_space<vmem>>, vector<1x1x16xf32>,
          %swap3A_354 = vector.shape_cast %swap3A_353 : vector<1x1x16xf32> to vector<16xf32>
          %swap3A_355 = vector.shape_cast %add3A_348 : vector<16xf32> to vector<1x1x16xf32>
          tpu.vector_store %arg14[%swap3A_350, %swap3A_351, %swap3A_352], %swap3A_355 {strides = array<i32>} : memref<4x128x128xf32, #tpu.memory_space<vmem>>, vector<1x1x16xf32>,
          %get3A_356 = arith.constant 2 : i32
          %get3A_357 = arith.index_cast %get3A_356 : i32 to index
          %get3A_358 = arith.index_cast %scan3A_314 : i32 to index
          %get3A_359 = arith.constant 48 : index
          %get3A_360 = tpu.vector_load %arg14[%get3A_357, %get3A_358, %get3A_359] {strides = array<i32>} : memref<4x128x128xf32, #tpu.memory_space<vmem>>, vector<1x1x16xf32>,
          %get3A_361 = vector.shape_cast %get3A_360 : vector<1x1x16xf32> to vector<16xf32>
          %add3A_362 = arith.addf %get3A_361, %get3A_284 : vector<16xf32>
          %swap3A_363 = arith.constant 2 : i32
          %swap3A_364 = arith.index_cast %swap3A_363 : i32 to index
          %swap3A_365 = arith.index_cast %scan3A_314 : i32 to index
          %swap3A_366 = arith.constant 48 : index
          %swap3A_367 = tpu.vector_load %arg14[%swap3A_364, %swap3A_365, %swap3A_366] {strides = array<i32>} : memref<4x128x128xf32, #tpu.memory_space<vmem>>, vector<1x1x16xf32>,
          %swap3A_368 = vector.shape_cast %swap3A_367 : vector<1x1x16xf32> to vector<16xf32>
          %swap3A_369 = vector.shape_cast %add3A_362 : vector<16xf32> to vector<1x1x16xf32>
          tpu.vector_store %arg14[%swap3A_364, %swap3A_365, %swap3A_366], %swap3A_369 {strides = array<i32>} : memref<4x128x128xf32, #tpu.memory_space<vmem>>, vector<1x1x16xf32>,
          %get3A_370 = arith.constant 2 : i32
          %get3A_371 = arith.index_cast %get3A_370 : i32 to index
          %get3A_372 = arith.index_cast %scan3A_314 : i32 to index
          %get3A_373 = arith.constant 64 : index
          %get3A_374 = tpu.vector_load %arg14[%get3A_371, %get3A_372, %get3A_373] {strides = array<i32>} : memref<4x128x128xf32, #tpu.memory_space<vmem>>, vector<1x1x16xf32>,
          %get3A_375 = vector.shape_cast %get3A_374 : vector<1x1x16xf32> to vector<16xf32>
          %add3A_376 = arith.addf %get3A_375, %get3A_290 : vector<16xf32>
          %swap3A_377 = arith.constant 2 : i32
          %swap3A_378 = arith.index_cast %swap3A_377 : i32 to index
          %swap3A_379 = arith.index_cast %scan3A_314 : i32 to index
          %swap3A_380 = arith.constant 64 : index
          %swap3A_381 = tpu.vector_load %arg14[%swap3A_378, %swap3A_379, %swap3A_380] {strides = array<i32>} : memref<4x128x128xf32, #tpu.memory_space<vmem>>, vector<1x1x16xf32>,
          %swap3A_382 = vector.shape_cast %swap3A_381 : vector<1x1x16xf32> to vector<16xf32>
          %swap3A_383 = vector.shape_cast %add3A_376 : vector<16xf32> to vector<1x1x16xf32>
          tpu.vector_store %arg14[%swap3A_378, %swap3A_379, %swap3A_380], %swap3A_383 {strides = array<i32>} : memref<4x128x128xf32, #tpu.memory_space<vmem>>, vector<1x1x16xf32>,
          %get3A_384 = arith.constant 2 : i32
          %get3A_385 = arith.index_cast %get3A_384 : i32 to index
          %get3A_386 = arith.index_cast %scan3A_314 : i32 to index
          %get3A_387 = arith.constant 80 : index
          %get3A_388 = tpu.vector_load %arg14[%get3A_385, %get3A_386, %get3A_387] {strides = array<i32>} : memref<4x128x128xf32, #tpu.memory_space<vmem>>, vector<1x1x16xf32>,
          %get3A_389 = vector.shape_cast %get3A_388 : vector<1x1x16xf32> to vector<16xf32>
          %add3A_390 = arith.addf %get3A_389, %get3A_296 : vector<16xf32>
          %swap3A_391 = arith.constant 2 : i32
          %swap3A_392 = arith.index_cast %swap3A_391 : i32 to index
          %swap3A_393 = arith.index_cast %scan3A_314 : i32 to index
          %swap3A_394 = arith.constant 80 : index
          %swap3A_395 = tpu.vector_load %arg14[%swap3A_392, %swap3A_393, %swap3A_394] {strides = array<i32>} : memref<4x128x128xf32, #tpu.memory_space<vmem>>, vector<1x1x16xf32>,
          %swap3A_396 = vector.shape_cast %swap3A_395 : vector<1x1x16xf32> to vector<16xf32>
          %swap3A_397 = vector.shape_cast %add3A_390 : vector<16xf32> to vector<1x1x16xf32>
          tpu.vector_store %arg14[%swap3A_392, %swap3A_393, %swap3A_394], %swap3A_397 {strides = array<i32>} : memref<4x128x128xf32, #tpu.memory_space<vmem>>, vector<1x1x16xf32>,
          %get3A_398 = arith.constant 2 : i32
          %get3A_399 = arith.index_cast %get3A_398 : i32 to index
          %get3A_400 = arith.index_cast %scan3A_314 : i32 to index
          %get3A_401 = arith.constant 96 : index
          %get3A_402 = tpu.vector_load %arg14[%get3A_399, %get3A_400, %get3A_401] {strides = array<i32>} : memref<4x128x128xf32, #tpu.memory_space<vmem>>, vector<1x1x16xf32>,
          %get3A_403 = vector.shape_cast %get3A_402 : vector<1x1x16xf32> to vector<16xf32>
          %add3A_404 = arith.addf %get3A_403, %get3A_302 : vector<16xf32>
          %swap3A_405 = arith.constant 2 : i32
          %swap3A_406 = arith.index_cast %swap3A_405 : i32 to index
          %swap3A_407 = arith.index_cast %scan3A_314 : i32 to index
          %swap3A_408 = arith.constant 96 : index
          %swap3A_409 = tpu.vector_load %arg14[%swap3A_406, %swap3A_407, %swap3A_408] {strides = array<i32>} : memref<4x128x128xf32, #tpu.memory_space<vmem>>, vector<1x1x16xf32>,
          %swap3A_410 = vector.shape_cast %swap3A_409 : vector<1x1x16xf32> to vector<16xf32>
          %swap3A_411 = vector.shape_cast %add3A_404 : vector<16xf32> to vector<1x1x16xf32>
          tpu.vector_store %arg14[%swap3A_406, %swap3A_407, %swap3A_408], %swap3A_411 {strides = array<i32>} : memref<4x128x128xf32, #tpu.memory_space<vmem>>, vector<1x1x16xf32>,
          %get3A_412 = arith.constant 2 : i32
          %get3A_413 = arith.index_cast %get3A_412 : i32 to index
          %get3A_414 = arith.index_cast %scan3A_314 : i32 to index
          %get3A_415 = arith.constant 112 : index
          %get3A_416 = tpu.vector_load %arg14[%get3A_413, %get3A_414, %get3A_415] {strides = array<i32>} : memref<4x128x128xf32, #tpu.memory_space<vmem>>, vector<1x1x16xf32>,
          %get3A_417 = vector.shape_cast %get3A_416 : vector<1x1x16xf32> to vector<16xf32>
          %add3A_418 = arith.addf %get3A_417, %get3A_308 : vector<16xf32>
          %swap3A_419 = arith.constant 2 : i32
          %swap3A_420 = arith.index_cast %swap3A_419 : i32 to index
          %swap3A_421 = arith.index_cast %scan3A_314 : i32 to index
          %swap3A_422 = arith.constant 112 : index
          %swap3A_423 = tpu.vector_load %arg14[%swap3A_420, %swap3A_421, %swap3A_422] {strides = array<i32>} : memref<4x128x128xf32, #tpu.memory_space<vmem>>, vector<1x1x16xf32>,
          %swap3A_424 = vector.shape_cast %swap3A_423 : vector<1x1x16xf32> to vector<16xf32>
          %swap3A_425 = vector.shape_cast %add3A_418 : vector<16xf32> to vector<1x1x16xf32>
          tpu.vector_store %arg14[%swap3A_420, %swap3A_421, %swap3A_422], %swap3A_425 {strides = array<i32>} : memref<4x128x128xf32, #tpu.memory_space<vmem>>, vector<1x1x16xf32>,
        }
        %scan3A_313 = arith.constant 128 : i32
      } else {
      }
      %mul3A_196 = arith.constant 16384 : i32
      %mul3A_197 = arith.muli %scan3A_67, %mul3A_196 : i32
      %add3A_198 = arith.addi %mul3A_197, %mul3A_2 : i32
      %add3A_199 = arith.constant 256 : i32
      %add3A_200 = arith.addi %add3A_198, %add3A_199 : i32
      %dma_start3A_201 = arith.constant 2 : i32
      %dma_start3A_202 = arith.constant 0 : i32
      %dma_start3A_203 = arith.constant 0 : i32
      %dma_start3A_204 = tpu.memref_slice %arg14[%dma_start3A_201, %dma_start3A_202, %dma_start3A_203] : memref<4x128x128xf32, #tpu.memory_space<vmem>> -> memref<1x128x128xf32, #tpu.memory_space<vmem>>
      %dma_start3A_205 = tpu.memref_squeeze %dma_start3A_204 : memref<1x128x128xf32, #tpu.memory_space<vmem>> -> memref<128x128xf32, #tpu.memory_space<vmem>>
      %dma_start3A_206 = arith.constant 0 : i32
      %dma_start3A_207 = tpu.memref_slice %arg8[%add3A_200, %dma_start3A_206] : memref<1064960x128xf32, #tpu.memory_space<hbm>> -> memref<128x128xf32, #tpu.memory_space<hbm>>
      %dma_start3A_208 = arith.constant 0 : i32
      %dma_start3A_209 = tpu.memref_slice %arg8[%add3A_200, %dma_start3A_208] : memref<1064960x128xf32, #tpu.memory_space<hbm>> -> memref<128x128xf32, #tpu.memory_space<hbm>>
      %dma_start3A_210 = arith.constant 0 : i32
      %dma_start3A_211 = arith.constant 0 : i32
      %dma_start3A_212 = tpu.memref_slice %arg14[%dma_start3A_201, %dma_start3A_210, %dma_start3A_211] : memref<4x128x128xf32, #tpu.memory_space<vmem>> -> memref<1x128x128xf32, #tpu.memory_space<vmem>>
      %dma_start3A_213 = tpu.memref_squeeze %dma_start3A_212 : memref<1x128x128xf32, #tpu.memory_space<vmem>> -> memref<128x128xf32, #tpu.memory_space<vmem>>
      tpu.enqueue_dma source(%dma_start3A_213 : memref<128x128xf32, #tpu.memory_space<vmem>>) target(%dma_start3A_209 : memref<128x128xf32, #tpu.memory_space<hbm>>) target_semaphore(%arg21 : memref<!tpu.dma_semaphore, #tpu.memory_space<semaphore_mem>>)
      %mul3A_214 = arith.constant 4 : i32
      %mul3A_215 = arith.muli %mul3A_214, %scan3A_67 : i32
      %add3A_216 = arith.constant 3 : i32
      %add3A_217 = arith.addi %mul3A_215, %add3A_216 : i32
      %dma_wait3A_218 = arith.constant 0 : i32
      %dma_wait3A_219 = arith.constant 3 : i32
      %dma_wait3A_220 = arith.constant 0 : i32
      %dma_wait3A_221 = arith.constant 0 : i32
      %dma_wait3A_222 = tpu.memref_slice %arg14[%dma_wait3A_219, %dma_wait3A_220, %dma_wait3A_221] : memref<4x128x128xf32, #tpu.memory_space<vmem>> -> memref<1x128x128xf32, #tpu.memory_space<vmem>>
      %dma_wait3A_223 = tpu.memref_squeeze %dma_wait3A_222 : memref<1x128x128xf32, #tpu.memory_space<vmem>> -> memref<128x128xf32, #tpu.memory_space<vmem>>
      %dma_wait3A_224 = arith.constant 0 : i32
      %dma_wait3A_225 = tpu.memref_slice %arg10[%dma_wait3A_218, %dma_wait3A_224] : memref<256x128xi32, #tpu.memory_space<vmem>> -> memref<1x128xi32, #tpu.memory_space<vmem>>
      %dma_wait3A_226 = tpu.memref_squeeze %dma_wait3A_225 : memref<1x128xi32, #tpu.memory_space<vmem>> -> memref<128xi32, #tpu.memory_space<vmem>>
      %dma_wait3A_227 = arith.constant 0 : i32
      %dma_wait3A_228 = arith.constant 0 : i32
      %dma_wait3A_229 = tpu.memref_slice %arg5[%dma_wait3A_227, %dma_wait3A_228] : memref<1000000x128xf32, #tpu.memory_space<hbm>> -> memref<1000000x128xf32, #tpu.memory_space<hbm>>
      tpu.wait_indirect_dma semaphore(%arg18 : memref<!tpu.dma_semaphore, #tpu.memory_space<semaphore_mem>>) src(%dma_wait3A_229 : memref<1000000x128xf32, #tpu.memory_space<hbm>>) dst(%dma_wait3A_223 : memref<128x128xf32, #tpu.memory_space<vmem>>)
      %ge3A_230 = arith.constant 2 : i32
      %ge3A_231 = arith.cmpi sge, %add3A_217, %ge3A_230 : i32
      %convert_element_type3A_232 = arith.extui %ge3A_231 : i1 to i32
      %cond3A_233 = arith.constant 0 : i32
      %cond3A_234 = arith.cmpi ne, %convert_element_type3A_232, %cond3A_233 : i32
      scf.if %cond3A_234 {
        %dma_wait3A_263 = arith.constant 1 : i32
        %dma_wait3A_264 = arith.constant 0 : i32
        %dma_wait3A_265 = arith.constant 0 : i32
        %dma_wait3A_266 = tpu.memref_slice %arg14[%dma_wait3A_263, %dma_wait3A_264, %dma_wait3A_265] : memref<4x128x128xf32, #tpu.memory_space<vmem>> -> memref<1x128x128xf32, #tpu.memory_space<vmem>>
        %dma_wait3A_267 = tpu.memref_squeeze %dma_wait3A_266 : memref<1x128x128xf32, #tpu.memory_space<vmem>> -> memref<128x128xf32, #tpu.memory_space<vmem>>
        %dma_wait3A_268 = arith.constant 0 : i32
        %dma_wait3A_269 = arith.constant 0 : i32
        %dma_wait3A_270 = tpu.memref_slice %arg8[%dma_wait3A_268, %dma_wait3A_269] : memref<1064960x128xf32, #tpu.memory_space<hbm>> -> memref<128x128xf32, #tpu.memory_space<hbm>>
        %dma_wait3A_271 = arith.constant 0 : i32
        %dma_wait3A_272 = arith.constant 0 : i32
        %dma_wait3A_273 = tpu.memref_slice %arg8[%dma_wait3A_271, %dma_wait3A_272] : memref<1064960x128xf32, #tpu.memory_space<hbm>> -> memref<128x128xf32, #tpu.memory_space<hbm>>
        %dma_wait3A_274 = arith.constant 0 : i32
        %dma_wait3A_275 = arith.constant 0 : i32
        %dma_wait3A_276 = tpu.memref_slice %arg14[%dma_wait3A_263, %dma_wait3A_274, %dma_wait3A_275] : memref<4x128x128xf32, #tpu.memory_space<vmem>> -> memref<1x128x128xf32, #tpu.memory_space<vmem>>
        %dma_wait3A_277 = tpu.memref_squeeze %dma_wait3A_276 : memref<1x128x128xf32, #tpu.memory_space<vmem>> -> memref<128x128xf32, #tpu.memory_space<vmem>>
        tpu.wait_dma2 semaphore(%arg20 : memref<!tpu.dma_semaphore, #tpu.memory_space<semaphore_mem>>) src(%dma_wait3A_277 : memref<128x128xf32, #tpu.memory_space<vmem>>) dst(%dma_wait3A_273 : memref<128x128xf32, #tpu.memory_space<hbm>>)
      } else {
      }
      %le3A_235 = arith.constant 257 : i32
      %le3A_236 = arith.cmpi sle, %add3A_217, %le3A_235 : i32
      %convert_element_type3A_237 = arith.extui %le3A_236 : i1 to i32
      %cond3A_238 = arith.constant 0 : i32
      %cond3A_239 = arith.cmpi ne, %convert_element_type3A_237, %cond3A_238 : i32
      scf.if %cond3A_239 {
        %add3A_263 = arith.constant 2 : i32
        %add3A_264 = arith.addi %add3A_217, %add3A_263 : i32
        %le3A_265 = arith.constant 3 : i32
        %le3A_266 = arith.cmpi sle, %add3A_264, %le3A_265 : i32
        %convert_element_type3A_267 = arith.extui %le3A_266 : i1 to i32
        %cond3A_268 = arith.constant 0 : i32
        %cond3A_269 = arith.cmpi ne, %convert_element_type3A_267, %cond3A_268 : i32
        scf.if %cond3A_269 {
          %dma_start3A_275 = arith.constant 1 : i32
          %dma_start3A_276 = arith.constant 0 : i32
          %dma_start3A_277 = arith.constant 0 : i32
          %dma_start3A_278 = tpu.memref_slice %arg14[%dma_start3A_275, %dma_start3A_276, %dma_start3A_277] : memref<4x128x128xf32, #tpu.memory_space<vmem>> -> memref<1x128x128xf32, #tpu.memory_space<vmem>>
          %dma_start3A_279 = tpu.memref_squeeze %dma_start3A_278 : memref<1x128x128xf32, #tpu.memory_space<vmem>> -> memref<128x128xf32, #tpu.memory_space<vmem>>
          %dma_start3A_280 = arith.constant 0 : i32
          %dma_start3A_281 = tpu.memref_slice %arg9[%add3A_264, %dma_start3A_280] : memref<4x128xi32, #tpu.memory_space<vmem>> -> memref<1x128xi32, #tpu.memory_space<vmem>>
          %dma_start3A_282 = tpu.memref_squeeze %dma_start3A_281 : memref<1x128xi32, #tpu.memory_space<vmem>> -> memref<128xi32, #tpu.memory_space<vmem>>
          %dma_start3A_283 = arith.constant 0 : i32
          %dma_start3A_284 = arith.constant 0 : i32
          %dma_start3A_285 = tpu.memref_slice %arg4[%dma_start3A_283, %dma_start3A_284] : memref<1000x128xf32, #tpu.memory_space<hbm>> -> memref<1000x128xf32, #tpu.memory_space<hbm>>
          tpu.enqueue_indirect_dma source(%dma_start3A_285 : memref<1000x128xf32, #tpu.memory_space<hbm>>) target(%dma_start3A_279 : memref<128x128xf32, #tpu.memory_space<vmem>>) offsets(%dma_start3A_282 : memref<128xi32, #tpu.memory_space<vmem>>) semaphore(%arg16 : memref<!tpu.dma_semaphore, #tpu.memory_space<semaphore_mem>>)
        } else {
        }
        %ge3A_270 = arith.constant 4 : i32
        %ge3A_271 = arith.cmpi sge, %add3A_264, %ge3A_270 : i32
        %convert_element_type3A_272 = arith.extui %ge3A_271 : i1 to i32
        %cond3A_273 = arith.constant 0 : i32
        %cond3A_274 = arith.cmpi ne, %convert_element_type3A_272, %cond3A_273 : i32
        scf.if %cond3A_274 {
          %sub3A = arith.constant 4 : i32
          %sub3A_275 = arith.subi %add3A_264, %sub3A : i32
          %dma_start3A_276 = arith.constant 1 : i32
          %dma_start3A_277 = arith.constant 0 : i32
          %dma_start3A_278 = arith.constant 0 : i32
          %dma_start3A_279 = tpu.memref_slice %arg14[%dma_start3A_276, %dma_start3A_277, %dma_start3A_278] : memref<4x128x128xf32, #tpu.memory_space<vmem>> -> memref<1x128x128xf32, #tpu.memory_space<vmem>>
          %dma_start3A_280 = tpu.memref_squeeze %dma_start3A_279 : memref<1x128x128xf32, #tpu.memory_space<vmem>> -> memref<128x128xf32, #tpu.memory_space<vmem>>
          %dma_start3A_281 = arith.constant 0 : i32
          %dma_start3A_282 = tpu.memref_slice %arg10[%sub3A_275, %dma_start3A_281] : memref<256x128xi32, #tpu.memory_space<vmem>> -> memref<1x128xi32, #tpu.memory_space<vmem>>
          %dma_start3A_283 = tpu.memref_squeeze %dma_start3A_282 : memref<1x128xi32, #tpu.memory_space<vmem>> -> memref<128xi32, #tpu.memory_space<vmem>>
          %dma_start3A_284 = arith.constant 0 : i32
          %dma_start3A_285 = arith.constant 0 : i32
          %dma_start3A_286 = tpu.memref_slice %arg5[%dma_start3A_284, %dma_start3A_285] : memref<1000000x128xf32, #tpu.memory_space<hbm>> -> memref<1000000x128xf32, #tpu.memory_space<hbm>>
          tpu.enqueue_indirect_dma source(%dma_start3A_286 : memref<1000000x128xf32, #tpu.memory_space<hbm>>) target(%dma_start3A_280 : memref<128x128xf32, #tpu.memory_space<vmem>>) offsets(%dma_start3A_283 : memref<128xi32, #tpu.memory_space<vmem>>) semaphore(%arg16 : memref<!tpu.dma_semaphore, #tpu.memory_space<semaphore_mem>>)
        } else {
        }
      } else {
      }
      %ge3A_240 = arith.constant 1 : i32
      %ge3A_241 = arith.cmpi sge, %scan3A_67, %ge3A_240 : i32
      %convert_element_type3A_242 = arith.extui %ge3A_241 : i1 to i32
      %cond3A_243 = arith.constant 0 : i32
      %cond3A_244 = arith.cmpi ne, %convert_element_type3A_242, %cond3A_243 : i32
      scf.if %cond3A_244 {
        %sub3A = arith.constant 1 : i32
        %sub3A_263 = arith.subi %scan3A_67, %sub3A : i32
        %get3A = arith.index_cast %sub3A_263 : i32 to index
        %get3A_264 = arith.constant 0 : index
        %get3A_265 = tpu.vector_load %arg13[%get3A, %get3A_264] {strides = array<i32>} : memref<64x128xf32, #tpu.memory_space<vmem>>, vector<1x16xf32>,
        %get3A_266 = vector.shape_cast %get3A_265 : vector<1x16xf32> to vector<16xf32>
        %sub3A_267 = arith.constant 1 : i32
        %sub3A_268 = arith.subi %scan3A_67, %sub3A_267 : i32
        %get3A_269 = arith.index_cast %sub3A_268 : i32 to index
        %get3A_270 = arith.constant 16 : index
        %get3A_271 = tpu.vector_load %arg13[%get3A_269, %get3A_270] {strides = array<i32>} : memref<64x128xf32, #tpu.memory_space<vmem>>, vector<1x16xf32>,
        %get3A_272 = vector.shape_cast %get3A_271 : vector<1x16xf32> to vector<16xf32>
        %sub3A_273 = arith.constant 1 : i32
        %sub3A_274 = arith.subi %scan3A_67, %sub3A_273 : i32
        %get3A_275 = arith.index_cast %sub3A_274 : i32 to index
        %get3A_276 = arith.constant 32 : index
        %get3A_277 = tpu.vector_load %arg13[%get3A_275, %get3A_276] {strides = array<i32>} : memref<64x128xf32, #tpu.memory_space<vmem>>, vector<1x16xf32>,
        %get3A_278 = vector.shape_cast %get3A_277 : vector<1x16xf32> to vector<16xf32>
        %sub3A_279 = arith.constant 1 : i32
        %sub3A_280 = arith.subi %scan3A_67, %sub3A_279 : i32
        %get3A_281 = arith.index_cast %sub3A_280 : i32 to index
        %get3A_282 = arith.constant 48 : index
        %get3A_283 = tpu.vector_load %arg13[%get3A_281, %get3A_282] {strides = array<i32>} : memref<64x128xf32, #tpu.memory_space<vmem>>, vector<1x16xf32>,
        %get3A_284 = vector.shape_cast %get3A_283 : vector<1x16xf32> to vector<16xf32>
        %sub3A_285 = arith.constant 1 : i32
        %sub3A_286 = arith.subi %scan3A_67, %sub3A_285 : i32
        %get3A_287 = arith.index_cast %sub3A_286 : i32 to index
        %get3A_288 = arith.constant 64 : index
        %get3A_289 = tpu.vector_load %arg13[%get3A_287, %get3A_288] {strides = array<i32>} : memref<64x128xf32, #tpu.memory_space<vmem>>, vector<1x16xf32>,
        %get3A_290 = vector.shape_cast %get3A_289 : vector<1x16xf32> to vector<16xf32>
        %sub3A_291 = arith.constant 1 : i32
        %sub3A_292 = arith.subi %scan3A_67, %sub3A_291 : i32
        %get3A_293 = arith.index_cast %sub3A_292 : i32 to index
        %get3A_294 = arith.constant 80 : index
        %get3A_295 = tpu.vector_load %arg13[%get3A_293, %get3A_294] {strides = array<i32>} : memref<64x128xf32, #tpu.memory_space<vmem>>, vector<1x16xf32>,
        %get3A_296 = vector.shape_cast %get3A_295 : vector<1x16xf32> to vector<16xf32>
        %sub3A_297 = arith.constant 1 : i32
        %sub3A_298 = arith.subi %scan3A_67, %sub3A_297 : i32
        %get3A_299 = arith.index_cast %sub3A_298 : i32 to index
        %get3A_300 = arith.constant 96 : index
        %get3A_301 = tpu.vector_load %arg13[%get3A_299, %get3A_300] {strides = array<i32>} : memref<64x128xf32, #tpu.memory_space<vmem>>, vector<1x16xf32>,
        %get3A_302 = vector.shape_cast %get3A_301 : vector<1x16xf32> to vector<16xf32>
        %sub3A_303 = arith.constant 1 : i32
        %sub3A_304 = arith.subi %scan3A_67, %sub3A_303 : i32
        %get3A_305 = arith.index_cast %sub3A_304 : i32 to index
        %get3A_306 = arith.constant 112 : index
        %get3A_307 = tpu.vector_load %arg13[%get3A_305, %get3A_306] {strides = array<i32>} : memref<64x128xf32, #tpu.memory_space<vmem>>, vector<1x16xf32>,
        %get3A_308 = vector.shape_cast %get3A_307 : vector<1x16xf32> to vector<16xf32>
        %scan3A_309 = arith.constant 0 : i32
        %scan3A_310 = arith.constant 128 : i32
        %scan3A_311 = arith.addi %scan3A_309, %scan3A_310 : i32
        %scan3A_312 = arith.constant 1 : i32
        scf.for %scan3A_314 = %scan3A_309 to %scan3A_311 step %scan3A_312  : i32 {
          %get3A_315 = arith.constant 3 : i32
          %get3A_316 = arith.index_cast %get3A_315 : i32 to index
          %get3A_317 = arith.index_cast %scan3A_314 : i32 to index
          %get3A_318 = arith.constant 0 : index
          %get3A_319 = tpu.vector_load %arg14[%get3A_316, %get3A_317, %get3A_318] {strides = array<i32>} : memref<4x128x128xf32, #tpu.memory_space<vmem>>, vector<1x1x16xf32>,
          %get3A_320 = vector.shape_cast %get3A_319 : vector<1x1x16xf32> to vector<16xf32>
          %add3A_321 = arith.addf %get3A_320, %get3A_266 : vector<16xf32>
          %swap3A = arith.constant 3 : i32
          %swap3A_322 = arith.index_cast %swap3A : i32 to index
          %swap3A_323 = arith.index_cast %scan3A_314 : i32 to index
          %swap3A_324 = arith.constant 0 : index
          %swap3A_325 = tpu.vector_load %arg14[%swap3A_322, %swap3A_323, %swap3A_324] {strides = array<i32>} : memref<4x128x128xf32, #tpu.memory_space<vmem>>, vector<1x1x16xf32>,
          %swap3A_326 = vector.shape_cast %swap3A_325 : vector<1x1x16xf32> to vector<16xf32>
          %swap3A_327 = vector.shape_cast %add3A_321 : vector<16xf32> to vector<1x1x16xf32>
          tpu.vector_store %arg14[%swap3A_322, %swap3A_323, %swap3A_324], %swap3A_327 {strides = array<i32>} : memref<4x128x128xf32, #tpu.memory_space<vmem>>, vector<1x1x16xf32>,
          %get3A_328 = arith.constant 3 : i32
          %get3A_329 = arith.index_cast %get3A_328 : i32 to index
          %get3A_330 = arith.index_cast %scan3A_314 : i32 to index
          %get3A_331 = arith.constant 16 : index
          %get3A_332 = tpu.vector_load %arg14[%get3A_329, %get3A_330, %get3A_331] {strides = array<i32>} : memref<4x128x128xf32, #tpu.memory_space<vmem>>, vector<1x1x16xf32>,
          %get3A_333 = vector.shape_cast %get3A_332 : vector<1x1x16xf32> to vector<16xf32>
          %add3A_334 = arith.addf %get3A_333, %get3A_272 : vector<16xf32>
          %swap3A_335 = arith.constant 3 : i32
          %swap3A_336 = arith.index_cast %swap3A_335 : i32 to index
          %swap3A_337 = arith.index_cast %scan3A_314 : i32 to index
          %swap3A_338 = arith.constant 16 : index
          %swap3A_339 = tpu.vector_load %arg14[%swap3A_336, %swap3A_337, %swap3A_338] {strides = array<i32>} : memref<4x128x128xf32, #tpu.memory_space<vmem>>, vector<1x1x16xf32>,
          %swap3A_340 = vector.shape_cast %swap3A_339 : vector<1x1x16xf32> to vector<16xf32>
          %swap3A_341 = vector.shape_cast %add3A_334 : vector<16xf32> to vector<1x1x16xf32>
          tpu.vector_store %arg14[%swap3A_336, %swap3A_337, %swap3A_338], %swap3A_341 {strides = array<i32>} : memref<4x128x128xf32, #tpu.memory_space<vmem>>, vector<1x1x16xf32>,
          %get3A_342 = arith.constant 3 : i32
          %get3A_343 = arith.index_cast %get3A_342 : i32 to index
          %get3A_344 = arith.index_cast %scan3A_314 : i32 to index
          %get3A_345 = arith.constant 32 : index
          %get3A_346 = tpu.vector_load %arg14[%get3A_343, %get3A_344, %get3A_345] {strides = array<i32>} : memref<4x128x128xf32, #tpu.memory_space<vmem>>, vector<1x1x16xf32>,
          %get3A_347 = vector.shape_cast %get3A_346 : vector<1x1x16xf32> to vector<16xf32>
          %add3A_348 = arith.addf %get3A_347, %get3A_278 : vector<16xf32>
          %swap3A_349 = arith.constant 3 : i32
          %swap3A_350 = arith.index_cast %swap3A_349 : i32 to index
          %swap3A_351 = arith.index_cast %scan3A_314 : i32 to index
          %swap3A_352 = arith.constant 32 : index
          %swap3A_353 = tpu.vector_load %arg14[%swap3A_350, %swap3A_351, %swap3A_352] {strides = array<i32>} : memref<4x128x128xf32, #tpu.memory_space<vmem>>, vector<1x1x16xf32>,
          %swap3A_354 = vector.shape_cast %swap3A_353 : vector<1x1x16xf32> to vector<16xf32>
          %swap3A_355 = vector.shape_cast %add3A_348 : vector<16xf32> to vector<1x1x16xf32>
          tpu.vector_store %arg14[%swap3A_350, %swap3A_351, %swap3A_352], %swap3A_355 {strides = array<i32>} : memref<4x128x128xf32, #tpu.memory_space<vmem>>, vector<1x1x16xf32>,
          %get3A_356 = arith.constant 3 : i32
          %get3A_357 = arith.index_cast %get3A_356 : i32 to index
          %get3A_358 = arith.index_cast %scan3A_314 : i32 to index
          %get3A_359 = arith.constant 48 : index
          %get3A_360 = tpu.vector_load %arg14[%get3A_357, %get3A_358, %get3A_359] {strides = array<i32>} : memref<4x128x128xf32, #tpu.memory_space<vmem>>, vector<1x1x16xf32>,
          %get3A_361 = vector.shape_cast %get3A_360 : vector<1x1x16xf32> to vector<16xf32>
          %add3A_362 = arith.addf %get3A_361, %get3A_284 : vector<16xf32>
          %swap3A_363 = arith.constant 3 : i32
          %swap3A_364 = arith.index_cast %swap3A_363 : i32 to index
          %swap3A_365 = arith.index_cast %scan3A_314 : i32 to index
          %swap3A_366 = arith.constant 48 : index
          %swap3A_367 = tpu.vector_load %arg14[%swap3A_364, %swap3A_365, %swap3A_366] {strides = array<i32>} : memref<4x128x128xf32, #tpu.memory_space<vmem>>, vector<1x1x16xf32>,
          %swap3A_368 = vector.shape_cast %swap3A_367 : vector<1x1x16xf32> to vector<16xf32>
          %swap3A_369 = vector.shape_cast %add3A_362 : vector<16xf32> to vector<1x1x16xf32>
          tpu.vector_store %arg14[%swap3A_364, %swap3A_365, %swap3A_366], %swap3A_369 {strides = array<i32>} : memref<4x128x128xf32, #tpu.memory_space<vmem>>, vector<1x1x16xf32>,
          %get3A_370 = arith.constant 3 : i32
          %get3A_371 = arith.index_cast %get3A_370 : i32 to index
          %get3A_372 = arith.index_cast %scan3A_314 : i32 to index
          %get3A_373 = arith.constant 64 : index
          %get3A_374 = tpu.vector_load %arg14[%get3A_371, %get3A_372, %get3A_373] {strides = array<i32>} : memref<4x128x128xf32, #tpu.memory_space<vmem>>, vector<1x1x16xf32>,
          %get3A_375 = vector.shape_cast %get3A_374 : vector<1x1x16xf32> to vector<16xf32>
          %add3A_376 = arith.addf %get3A_375, %get3A_290 : vector<16xf32>
          %swap3A_377 = arith.constant 3 : i32
          %swap3A_378 = arith.index_cast %swap3A_377 : i32 to index
          %swap3A_379 = arith.index_cast %scan3A_314 : i32 to index
          %swap3A_380 = arith.constant 64 : index
          %swap3A_381 = tpu.vector_load %arg14[%swap3A_378, %swap3A_379, %swap3A_380] {strides = array<i32>} : memref<4x128x128xf32, #tpu.memory_space<vmem>>, vector<1x1x16xf32>,
          %swap3A_382 = vector.shape_cast %swap3A_381 : vector<1x1x16xf32> to vector<16xf32>
          %swap3A_383 = vector.shape_cast %add3A_376 : vector<16xf32> to vector<1x1x16xf32>
          tpu.vector_store %arg14[%swap3A_378, %swap3A_379, %swap3A_380], %swap3A_383 {strides = array<i32>} : memref<4x128x128xf32, #tpu.memory_space<vmem>>, vector<1x1x16xf32>,
          %get3A_384 = arith.constant 3 : i32
          %get3A_385 = arith.index_cast %get3A_384 : i32 to index
          %get3A_386 = arith.index_cast %scan3A_314 : i32 to index
          %get3A_387 = arith.constant 80 : index
          %get3A_388 = tpu.vector_load %arg14[%get3A_385, %get3A_386, %get3A_387] {strides = array<i32>} : memref<4x128x128xf32, #tpu.memory_space<vmem>>, vector<1x1x16xf32>,
          %get3A_389 = vector.shape_cast %get3A_388 : vector<1x1x16xf32> to vector<16xf32>
          %add3A_390 = arith.addf %get3A_389, %get3A_296 : vector<16xf32>
          %swap3A_391 = arith.constant 3 : i32
          %swap3A_392 = arith.index_cast %swap3A_391 : i32 to index
          %swap3A_393 = arith.index_cast %scan3A_314 : i32 to index
          %swap3A_394 = arith.constant 80 : index
          %swap3A_395 = tpu.vector_load %arg14[%swap3A_392, %swap3A_393, %swap3A_394] {strides = array<i32>} : memref<4x128x128xf32, #tpu.memory_space<vmem>>, vector<1x1x16xf32>,
          %swap3A_396 = vector.shape_cast %swap3A_395 : vector<1x1x16xf32> to vector<16xf32>
          %swap3A_397 = vector.shape_cast %add3A_390 : vector<16xf32> to vector<1x1x16xf32>
          tpu.vector_store %arg14[%swap3A_392, %swap3A_393, %swap3A_394], %swap3A_397 {strides = array<i32>} : memref<4x128x128xf32, #tpu.memory_space<vmem>>, vector<1x1x16xf32>,
          %get3A_398 = arith.constant 3 : i32
          %get3A_399 = arith.index_cast %get3A_398 : i32 to index
          %get3A_400 = arith.index_cast %scan3A_314 : i32 to index
          %get3A_401 = arith.constant 96 : index
          %get3A_402 = tpu.vector_load %arg14[%get3A_399, %get3A_400, %get3A_401] {strides = array<i32>} : memref<4x128x128xf32, #tpu.memory_space<vmem>>, vector<1x1x16xf32>,
          %get3A_403 = vector.shape_cast %get3A_402 : vector<1x1x16xf32> to vector<16xf32>
          %add3A_404 = arith.addf %get3A_403, %get3A_302 : vector<16xf32>
          %swap3A_405 = arith.constant 3 : i32
          %swap3A_406 = arith.index_cast %swap3A_405 : i32 to index
          %swap3A_407 = arith.index_cast %scan3A_314 : i32 to index
          %swap3A_408 = arith.constant 96 : index
          %swap3A_409 = tpu.vector_load %arg14[%swap3A_406, %swap3A_407, %swap3A_408] {strides = array<i32>} : memref<4x128x128xf32, #tpu.memory_space<vmem>>, vector<1x1x16xf32>,
          %swap3A_410 = vector.shape_cast %swap3A_409 : vector<1x1x16xf32> to vector<16xf32>
          %swap3A_411 = vector.shape_cast %add3A_404 : vector<16xf32> to vector<1x1x16xf32>
          tpu.vector_store %arg14[%swap3A_406, %swap3A_407, %swap3A_408], %swap3A_411 {strides = array<i32>} : memref<4x128x128xf32, #tpu.memory_space<vmem>>, vector<1x1x16xf32>,
          %get3A_412 = arith.constant 3 : i32
          %get3A_413 = arith.index_cast %get3A_412 : i32 to index
          %get3A_414 = arith.index_cast %scan3A_314 : i32 to index
          %get3A_415 = arith.constant 112 : index
          %get3A_416 = tpu.vector_load %arg14[%get3A_413, %get3A_414, %get3A_415] {strides = array<i32>} : memref<4x128x128xf32, #tpu.memory_space<vmem>>, vector<1x1x16xf32>,
          %get3A_417 = vector.shape_cast %get3A_416 : vector<1x1x16xf32> to vector<16xf32>
          %add3A_418 = arith.addf %get3A_417, %get3A_308 : vector<16xf32>
          %swap3A_419 = arith.constant 3 : i32
          %swap3A_420 = arith.index_cast %swap3A_419 : i32 to index
          %swap3A_421 = arith.index_cast %scan3A_314 : i32 to index
          %swap3A_422 = arith.constant 112 : index
          %swap3A_423 = tpu.vector_load %arg14[%swap3A_420, %swap3A_421, %swap3A_422] {strides = array<i32>} : memref<4x128x128xf32, #tpu.memory_space<vmem>>, vector<1x1x16xf32>,
          %swap3A_424 = vector.shape_cast %swap3A_423 : vector<1x1x16xf32> to vector<16xf32>
          %swap3A_425 = vector.shape_cast %add3A_418 : vector<16xf32> to vector<1x1x16xf32>
          tpu.vector_store %arg14[%swap3A_420, %swap3A_421, %swap3A_422], %swap3A_425 {strides = array<i32>} : memref<4x128x128xf32, #tpu.memory_space<vmem>>, vector<1x1x16xf32>,
        }
        %scan3A_313 = arith.constant 128 : i32
      } else {
      }
      %mul3A_245 = arith.constant 16384 : i32
      %mul3A_246 = arith.muli %scan3A_67, %mul3A_245 : i32
      %add3A_247 = arith.addi %mul3A_246, %mul3A_2 : i32
      %add3A_248 = arith.constant 384 : i32
      %add3A_249 = arith.addi %add3A_247, %add3A_248 : i32
      %dma_start3A_250 = arith.constant 3 : i32
      %dma_start3A_251 = arith.constant 0 : i32
      %dma_start3A_252 = arith.constant 0 : i32
      %dma_start3A_253 = tpu.memref_slice %arg14[%dma_start3A_250, %dma_start3A_251, %dma_start3A_252] : memref<4x128x128xf32, #tpu.memory_space<vmem>> -> memref<1x128x128xf32, #tpu.memory_space<vmem>>
      %dma_start3A_254 = tpu.memref_squeeze %dma_start3A_253 : memref<1x128x128xf32, #tpu.memory_space<vmem>> -> memref<128x128xf32, #tpu.memory_space<vmem>>
      %dma_start3A_255 = arith.constant 0 : i32
      %dma_start3A_256 = tpu.memref_slice %arg8[%add3A_249, %dma_start3A_255] : memref<1064960x128xf32, #tpu.memory_space<hbm>> -> memref<128x128xf32, #tpu.memory_space<hbm>>
      %dma_start3A_257 = arith.constant 0 : i32
      %dma_start3A_258 = tpu.memref_slice %arg8[%add3A_249, %dma_start3A_257] : memref<1064960x128xf32, #tpu.memory_space<hbm>> -> memref<128x128xf32, #tpu.memory_space<hbm>>
      %dma_start3A_259 = arith.constant 0 : i32
      %dma_start3A_260 = arith.constant 0 : i32
      %dma_start3A_261 = tpu.memref_slice %arg14[%dma_start3A_250, %dma_start3A_259, %dma_start3A_260] : memref<4x128x128xf32, #tpu.memory_space<vmem>> -> memref<1x128x128xf32, #tpu.memory_space<vmem>>
      %dma_start3A_262 = tpu.memref_squeeze %dma_start3A_261 : memref<1x128x128xf32, #tpu.memory_space<vmem>> -> memref<128x128xf32, #tpu.memory_space<vmem>>
      tpu.enqueue_dma source(%dma_start3A_262 : memref<128x128xf32, #tpu.memory_space<vmem>>) target(%dma_start3A_258 : memref<128x128xf32, #tpu.memory_space<hbm>>) target_semaphore(%arg22 : memref<!tpu.dma_semaphore, #tpu.memory_space<semaphore_mem>>)
    }
    %scan3A_37 = arith.constant 65 : i32
    %dma_wait3A = arith.constant 2 : i32
    %dma_wait3A_38 = arith.constant 0 : i32
    %dma_wait3A_39 = arith.constant 0 : i32
    %dma_wait3A_40 = tpu.memref_slice %arg14[%dma_wait3A, %dma_wait3A_38, %dma_wait3A_39] : memref<4x128x128xf32, #tpu.memory_space<vmem>> -> memref<1x128x128xf32, #tpu.memory_space<vmem>>
    %dma_wait3A_41 = tpu.memref_squeeze %dma_wait3A_40 : memref<1x128x128xf32, #tpu.memory_space<vmem>> -> memref<128x128xf32, #tpu.memory_space<vmem>>
    %dma_wait3A_42 = arith.constant 0 : i32
    %dma_wait3A_43 = arith.constant 0 : i32
    %dma_wait3A_44 = tpu.memref_slice %arg8[%dma_wait3A_42, %dma_wait3A_43] : memref<1064960x128xf32, #tpu.memory_space<hbm>> -> memref<128x128xf32, #tpu.memory_space<hbm>>
    %dma_wait3A_45 = arith.constant 0 : i32
    %dma_wait3A_46 = arith.constant 0 : i32
    %dma_wait3A_47 = tpu.memref_slice %arg8[%dma_wait3A_45, %dma_wait3A_46] : memref<1064960x128xf32, #tpu.memory_space<hbm>> -> memref<128x128xf32, #tpu.memory_space<hbm>>
    %dma_wait3A_48 = arith.constant 0 : i32
    %dma_wait3A_49 = arith.constant 0 : i32
    %dma_wait3A_50 = tpu.memref_slice %arg14[%dma_wait3A, %dma_wait3A_48, %dma_wait3A_49] : memref<4x128x128xf32, #tpu.memory_space<vmem>> -> memref<1x128x128xf32, #tpu.memory_space<vmem>>
    %dma_wait3A_51 = tpu.memref_squeeze %dma_wait3A_50 : memref<1x128x128xf32, #tpu.memory_space<vmem>> -> memref<128x128xf32, #tpu.memory_space<vmem>>
    tpu.wait_dma2 semaphore(%arg21 : memref<!tpu.dma_semaphore, #tpu.memory_space<semaphore_mem>>) src(%dma_wait3A_51 : memref<128x128xf32, #tpu.memory_space<vmem>>) dst(%dma_wait3A_47 : memref<128x128xf32, #tpu.memory_space<hbm>>)
    %dma_wait3A_52 = arith.constant 3 : i32
    %dma_wait3A_53 = arith.constant 0 : i32
    %dma_wait3A_54 = arith.constant 0 : i32
    %dma_wait3A_55 = tpu.memref_slice %arg14[%dma_wait3A_52, %dma_wait3A_53, %dma_wait3A_54] : memref<4x128x128xf32, #tpu.memory_space<vmem>> -> memref<1x128x128xf32, #tpu.memory_space<vmem>>
    %dma_wait3A_56 = tpu.memref_squeeze %dma_wait3A_55 : memref<1x128x128xf32, #tpu.memory_space<vmem>> -> memref<128x128xf32, #tpu.memory_space<vmem>>
    %dma_wait3A_57 = arith.constant 0 : i32
    %dma_wait3A_58 = arith.constant 0 : i32
    %dma_wait3A_59 = tpu.memref_slice %arg8[%dma_wait3A_57, %dma_wait3A_58] : memref<1064960x128xf32, #tpu.memory_space<hbm>> -> memref<128x128xf32, #tpu.memory_space<hbm>>
    %dma_wait3A_60 = arith.constant 0 : i32
    %dma_wait3A_61 = arith.constant 0 : i32
    %dma_wait3A_62 = tpu.memref_slice %arg8[%dma_wait3A_60, %dma_wait3A_61] : memref<1064960x128xf32, #tpu.memory_space<hbm>> -> memref<128x128xf32, #tpu.memory_space<hbm>>
    %dma_wait3A_63 = arith.constant 0 : i32
    %dma_wait3A_64 = arith.constant 0 : i32
    %dma_wait3A_65 = tpu.memref_slice %arg14[%dma_wait3A_52, %dma_wait3A_63, %dma_wait3A_64] : memref<4x128x128xf32, #tpu.memory_space<vmem>> -> memref<1x128x128xf32, #tpu.memory_space<vmem>>
    %dma_wait3A_66 = tpu.memref_squeeze %dma_wait3A_65 : memref<1x128x128xf32, #tpu.memory_space<vmem>> -> memref<128x128xf32, #tpu.memory_space<vmem>>
    tpu.wait_dma2 semaphore(%arg22 : memref<!tpu.dma_semaphore, #tpu.memory_space<semaphore_mem>>) src(%dma_wait3A_66 : memref<128x128xf32, #tpu.memory_space<vmem>>) dst(%dma_wait3A_62 : memref<128x128xf32, #tpu.memory_space<hbm>>)
    return
  }
}

</mosaic_0001>

<sc_bundles>
// kernel: kernel.3.cloned.1.call-start
scs
__scs_entry_jumppad:
0x0: {  	(pc) =	sbr.rel $0x88, $3  }
0x1: {  	(tag) =	ssettag $0x0;
	lr =	simm.s32 $0x1  }
0x2: {  	[smem:$0x3F9B] =	sst lr;
	_ =	strace $0xD0000000  }
0x3: {  	_ = 	snop  }
0x4: {  	_ = 	snop  }
0x5: {  	_ = 	snop  }
0x6: {  	_ = 	snop  }
0x7: {  	_ = 	snop  }
__scs_overlays_trampoline_lowered:
0x8: {  	[smem:$0x3FAA] =	sst s0  }
0x9: {  	[smem:$0x3FAB] =	sst s1  }
0xa: {  	[smem:$0x3FAC] =	sst s2  }
0xb: {  	[smem:$0x3FAD] =	sst s3  }
0xc: {  	[smem:$0x3FAE] =	sst s4  }
0xd: {  	[smem:$0x3FAF] =	sst s5  }
0xe: {  	[smem:$0x3FB0] =	sst s6  }
0xf: {  	[smem:$0x3FB1] =	sst s7  }
0x10: {  	[smem:$0x3FB2] =	sst s8  }
0x11: {  	[smem:$0x3FB3] =	sst s9;
	s0 =	simm.s32 @!p0 $0x0  }
0x12: {  	s1 =	sld [smem:$0x3F99];
	s0 =	simm.s32 @p0 $0x1  }
0x13: {  	[smem:$0x3FB4] =	sst s0;
	s0 =	simm.s32 @!p1 $0x0  }
0x14: {  	s2 =	sld [smem:$0x3F98];
	s0 =	simm.s32 @p1 $0x1  }
0x15: {  	[smem:$0x3FB5] =	sst s0;
	s0 =	simm.s32 @!p2 $0x0  }
0x16: {  	s3 =	sld [smem:$0x3FDB];
	s0 =	simm.s32 @p2 $0x1  }
0x17: {  	s4 =	simm.s32 $0x1BF5;
	[smem:$0x3FB7] =	sst s0  }
0x18: {  	s0 =	sld [smem:$0x3F9A];
	_ =	swait.ge [sflag:s4], $0x0  }
0x19: {  	s7 =	sld [smem:$0x3F9B]  }
0x1a: {  	s8 =	sadd.s32 $0xFFFFE003, lr  }
0x1b: {  	s9 =	sadd.s32 $0xFFFFFEF7, lr;
	s5 =	simm.s32 $0xFFFFFFFF;
	p2 =	slt.u32 s8, $0xFFFFF086  }
0x1c: {  	p1 =	slt.u32 s9, $0xF7A;
	s5 =	simm.s32 @!p2 $0x0  }
0x1d: {  	s5 =	simm.s32 @p1 $0x1;
	p0 =	seq.s32 s7, s2  }
0x1e: {  	s7 =	smul.u32 @!p0 $0xF7A, s2;
	p2 =	seq.s32 @!p0 s5, $0x0  }
0x1f: {  	s9 =	smul.u32 $0xF7A, s1;
	s8 =	simm.s32 @!p0 $0x1BF5;
	p2 =	por !p2, p0  }
0x20: {  	[sflag:s8] =	ssyncset.s32 @!p0 $0xFFFFF086;
	s6 =	sadd.s32 @!p0 s3, s7;
	s7 =	simm.s32 @!p0 $0x108  }
0x21: {  	s3 =	sadd.s32 s3, s9;
	s6 =	sadd.s32 @!p0 $0x88, s6;
	s7 =	simm.s32 @p2 $0x1082  }
0x22: {  	[simem:s7], [sflag:s8] =	dma.local @!p0 [hbm:s6], $0xF7A  }
0x23: {  	s9 =	sor.u32 $0xD0000000, s2;
	s6 =	simm.s32 $0x108;
	_ =	swait.ge @!p0 [sflag:s8], $0x0  }
0x24: {  	s3 =	sadd.s32 $0x88, s3;
	s6 =	simm.s32 @!p1 $0x1082;
	[sflag:s4] =	ssyncset.s32 $0xFFFFF086  }
0x25: {  	[simem:s6], [sflag:s4] =	dma.local [hbm:s3], $0xF7A  }
0x26: {  	[smem:$0x3F9B] =	sst s1;
	(tag) =	ssettag s2;
	_ =	strace s9  }
0x27: {  	s1 =	sld [smem:$0x3FAB]  }
0x28: {  	s2 =	sld [smem:$0x3FAC]  }
0x29: {  	s4 =	sld [smem:$0x3FAE]  }
0x2a: {  	p0 =	seq.s32 s5, $0x0;
	s5 =	sld [smem:$0x3FAF]  }
0x2b: {  	s6 =	sld [smem:$0x3FB0]  }
0x2c: {  	s7 =	sld [smem:$0x3FB1]  }
0x2d: {  	s3 =	simm.s32 $0x108;
	s8 =	sld [smem:$0x3FB2]  }
0x2e: {  	s3 =	simm.s32 @!p0 $0x1082;
	s9 =	sld [smem:$0x3FB3]  }
0x2f: {  	lr =	sadd.s32 s0, s3;
	s0 =	sld [smem:$0x3FAA]  }
0x30: {  	s3 =	sld [smem:$0x3FAD]  }
0x31: {  	[smem:$0x3FB6] =	sst s10  }
0x32: {  	s10 =	sld [smem:$0x3FB4];
	_ =	sdelay $0x3  }
0x33: {  	p0 =	seq.s32 s10, $0x1;
	s10 =	sld [smem:$0x3FB6];
	_ =	sdelay $0x3  }
0x34: {  	[smem:$0x3FB6] =	sst s10  }
0x35: {  	s10 =	sld [smem:$0x3FB5];
	_ =	sdelay $0x3  }
0x36: {  	p1 =	seq.s32 s10, $0x1;
	s10 =	sld [smem:$0x3FB6];
	_ =	sdelay $0x3  }
0x37: {  	[smem:$0x3FB6] =	sst s10  }
0x38: {  	s10 =	sld [smem:$0x3FB7]  }
0x39: {  	_ = 	snop;
	(pc) =	sbr.ind lr, $3  }
0x3a: {  	_ = 	snop  }
0x3b: {  	_ = 	snop  }
0x3c: {  	p2 =	seq.s32 s10, $0x1;
	s10 =	sld [smem:$0x3FB6]  }
0x3d: {  	_ =	shalt  }
0x3e: {  	_ =	shalt  }
0x3f: {  	_ =	shalt  }
0x40: {  	_ =	shalt  }
0x41: {  	_ =	shalt  }
0x42: {  	_ =	shalt  }
0x43: {  	_ =	shalt  }
0x44: {  	_ =	shalt  }
0x45: {  	_ =	shalt  }
0x46: {  	_ =	shalt  }
0x47: {  	_ =	shalt  }
0x48: {  	_ =	shalt  }
0x49: {  	_ =	shalt  }
0x4a: {  	_ =	shalt  }
0x4b: {  	_ =	shalt  }
0x4c: {  	_ =	shalt  }
0x4d: {  	_ =	shalt  }
0x4e: {  	_ =	shalt  }
0x4f: {  	_ =	shalt  }
0x50: {  	_ =	shalt  }
0x51: {  	_ =	shalt  }
0x52: {  	_ =	shalt  }
0x53: {  	_ =	shalt  }
0x54: {  	_ =	shalt  }
0x55: {  	_ =	shalt  }
0x56: {  	_ =	shalt  }
0x57: {  	_ =	shalt  }
0x58: {  	_ =	shalt  }
0x59: {  	_ =	shalt  }
0x5a: {  	_ =	shalt  }
0x5b: {  	_ =	shalt  }
0x5c: {  	_ =	shalt  }
0x5d: {  	_ =	shalt  }
0x5e: {  	_ =	shalt  }
0x5f: {  	_ =	shalt  }
0x60: {  	_ =	shalt  }
0x61: {  	_ =	shalt  }
0x62: {  	_ =	shalt  }
0x63: {  	_ =	shalt  }
0x64: {  	_ =	shalt  }
0x65: {  	_ =	shalt  }
0x66: {  	_ =	shalt  }
0x67: {  	_ =	shalt  }
0x68: {  	_ =	shalt  }
0x69: {  	_ =	shalt  }
0x6a: {  	_ =	shalt  }
0x6b: {  	_ =	shalt  }
0x6c: {  	_ =	shalt  }
0x6d: {  	_ =	shalt  }
0x6e: {  	_ =	shalt  }
0x6f: {  	_ =	shalt  }
0x70: {  	_ =	shalt  }
0x71: {  	_ =	shalt  }
0x72: {  	_ =	shalt  }
0x73: {  	_ =	shalt  }
0x74: {  	_ =	shalt  }
0x75: {  	_ =	shalt  }
0x76: {  	_ =	shalt  }
0x77: {  	_ =	shalt  }
0x78: {  	_ =	shalt  }
0x79: {  	_ =	shalt  }
0x7a: {  	_ =	shalt  }
0x7b: {  	_ =	shalt  }
0x7c: {  	_ =	shalt  }
0x7d: {  	_ =	shalt  }
0x7e: {  	_ =	shalt  }
0x7f: {  	_ =	shalt  }
0x80: {  	_ =	shalt  }
0x81: {  	_ =	shalt  }
0x82: {  	_ =	shalt  }
0x83: {  	_ =	shalt  }
0x84: {  	_ =	shalt  }
0x85: {  	_ =	shalt  }
0x86: {  	_ =	shalt  }
0x87: {  	_ =	shalt  }
.Lfunc_end0:
.L_simem_size_0:
called_computation_lowered:
.L_overlay_start_0:
0x88: {  	s2 =	sld [smem:$0x3FD9]  }
0x89: {  	s3 =	sld [smem:$0x3FFE];
	_ =	sdelay $0x1  }
0x8a: {  	s1 =	srdreg.scid  }
0x8b: {  	s0 =	sand.u32 $0x1, s1  }
0x8c: {  	s17 =	sshll.u32 s0, $0xA;
	s2 =	sadd.s32 s3, s2  }
0x8d: {  	s2 =	sadd.s32 s2, s17  }
0x8e: {  	[smem:$0x3FC2] =	sst s2  }
0x8f: {  	_ = 	snop  }
0x90: {  	s2 =	sld [smem:$0x3FC9]  }
0x91: {  	s18 =	sld [smem:$0x3FC7]  }
0x92: {  	s4 =	sld [smem:$0x3FC6]  }
0x93: {  	s5 =	sld [smem:$0x3FC5]  }
0x94: {  	s6 =	sld [smem:$0x3FC4]  }
0x95: {  	s7 =	sld [smem:$0x3FD0];
	(tm) =	ssettm $0x1  }
0x96: {  	s8 =	sld [smem:$0x3FFB];
	_ =	sdelay $0x3  }
0x97: {  	_ =	strace s8  }
0x98: {  	s8 =	sld [smem:$0x3FFC];
	_ =	sdelay $0x3  }
0x99: {  	_ =	strace s8  }
0x9a: {  	s8 =	sld [smem:$0x3FFD];
	_ =	sdelay $0x3  }
0x9b: {  	_ =	strace s8  }
0x9c: {  	_ =	strace $0x8FFFFFFF  }
0x9d: {  	s19 =	sld [smem:$0x3FDB];
	_ =	sdelay $0x1  }
0x9e: {  	s9 =	simm.s32 $_scs_section_size  }
0x9f: {  	s10 =	simm.s32 $_size__tile_overlayer_lowered;
	s11 =	simm.s32 $_tile_overlayer_lowered  }
0xa0: {  	s22 =	simm.s32 $0x1BFF;
	s21 =	sshll.u32 s11, $0x1;
	s8 =	sadd.s32 s9, s19  }
0xa1: {  	s12 =	simm.s32 $0x0;
	s20 =	sshll.u32 s10, $0x1;
	s10 =	sadd.s32 s21, s8  }
0xa2: {  	[timem:s12], [sflag:s22] =	dma.local [hbm:s10], s20  }
0xa3: {  	_ =	swait.ge [sflag:s22], s20  }
0xa4: {  	s9 =	ssub.s32 $0x0, s20;
	[sflag:s22] =	ssyncset.done $0x0  }
0xa5: {  	[sflag:s22] =	ssyncadd.s32 s9;
	_ =	sdelay $0x1  }
0xa6: {  	s23 =	simm.s32 $0x1B8B  }
0xa7: {  	_ =	swait.ge [sflag:s23], $0x1  }
0xa8: {  	[sflag:s23] =	ssyncset.done $0x0  }
0xa9: {  	s25 =	simm.s32 $0x1B8E;
	s24 =	sld [smem:$0x3FFE];
	[sflag:s23] =	ssyncadd.s32 $0xFFFFFFFF  }
0xaa: {  	s26 =	simm.s32 $execute0_lowered;
	[smem:$0x3FD2] =	sst s25  }
0xab: {  	s10 =	sshll.u32 s26, $0x1;
	_ =	strace $0x80000046;
	[dreg:$0x1] =	wrdreg $0xFFFFFFFF  }
0xac: {  	s28 =	simm.s32 $_size_execute0_lowered;
	s8 =	sadd.s32 s8, s10;
	[dreg:$0x0] =	wrdreg $0x0  }
0xad: {  	s10 =	sshll.u32 s28, $0x1;
	[dreg:$0x2] =	wrdreg s8  }
0xae: {  	[dreg:$0x3] =	wrdreg s10  }
0xaf: {  	[dreg:$0x4] =	wrdreg $0xC0  }
0xb0: {  	_ =	task [dreg:s12], $0x5FFFF  }
0xb1: {  	[dreg:$0x1] =	wrdreg $0xFFFFFFFF  }
0xb2: {  	[dreg:$0x0] =	wrdreg $0x60  }
0xb3: {  	[dreg:$0x2] =	wrdreg s2  }
0xb4: {  	[dreg:$0x3] =	wrdreg s24  }
0xb5: {  	[dreg:$0x4] =	wrdreg s18  }
0xb6: {  	[dreg:$0x5] =	wrdreg s4  }
0xb7: {  	[dreg:$0x6] =	wrdreg s5  }
0xb8: {  	[dreg:$0x7] =	wrdreg s6  }
0xb9: {  	[dreg:$0x8] =	wrdreg s7  }
0xba: {  	[dreg:$0x9] =	wrdreg $0x9  }
0xbb: {  	_ =	task.clear_ibuf [dreg:s12], $0xAFFFF;
	_ =	strace $0x90000046  }
0xbc: {  	s29 =	simm.s32 $0x9;
	_ =	strace $0x80000048  }
0xbd: {  	_ =	swait.ge [sflag:s29], $0x1  }
0xbe: {  	[sflag:s29] =	ssyncadd.s32 $0xFFFFFFFF  }
0xbf: {  	_ =	strace $0x90000048  }
0xc0: {  	_ =	sfence  }
0xc1: {  	s30 =	sld [smem:$0x0];
	_ =	sdelay $0x2  }
0xc2: {  	s31 =	sshll.u32 s1, $0xD;
	s1 =	sshrl.u32 s1, $0x2  }
0xc3: {  	s3 =	sand.u32 $0x4000, s31;
	s1 =	sadd.s32 s1, s30  }
0xc4: {  	s0 =	sor.u32 s3, s0;
	s1 =	sshll.u32 s1, $0x11  }
0xc5: {  	s0 =	sor.u32 s1, s0  }
0xc6: {  	s0 =	sadd.s32 $0x8F2B, s0  }
0xc7: {  	[sflag:s0] =	ssyncadd.remote.s32 $0x1  }
0xc8: {  	_ =	sfence.sel $0xFFFF  }
0xc9: {  	[dreg:$0x0] =	wrdreg $0xFFFFFFFF;
	(pc) =	sbr.abs _section_cstart, $3  }
0xca: {  	[dreg:$0x1] =	wrdreg $0xFFFFFFFF  }
0xcb: {  	_ =	task.clear_ibuf [dreg:s12], $0x2FFFF;
	_ =	strace $0x9FFFFFFF  }
0xcc: {  	(tm) =	ssettm $0x7FFFFFFF  }
0xcd: {  	_ =	shalt  }
tec
execute0_lowered:
.L_overlay_start_1:
0x0: {  	(tag) =	ssettag $0x1  }
0x1: {  	s0 =	rddreg [dreg:$0x0]  }
0x2: {  	s3 =	rddreg [dreg:$0x1]  }
0x3: {  	s1 =	rddreg [dreg:$0x2]  }
0x4: {  	s2 =	rddreg [dreg:$0x3]  }
0x5: {  	s6 =	rddreg [dreg:$0x6]  }
0x6: {  	s4 =	srdreg.scid;
	s5 =	stileid.u32  }
0x7: {  	s7 =	simm.s32 $0x0;
	s19 =	simm.s32 $0x80;
	s20 =	simm.s32 $0xAA00  }
0x8: {  	s21 =	simm.s32 $0xEA00;
	s22 =	simm.s32 $0x1;
	s23 =	simm.s32 $0x100  }
0x9: {  	s28 =	simm.s32 $0x16A00;
	s29 =	simm.s32 $0x3;
	s30 =	simm.s32 $0x5  }
0xa: {  	s31 =	simm.s32 $0x4;
	s4 =	sand.u32 $0x1, s4;
	s5 =	sshll.u32 s5, $0x1  }
0xb: {  	[smem:$0x7FF] =	sst s7;
	s11 =	sadd.s32 $0x800, s6;
	s12 =	sadd.s32 $0x1000, s6  }
0xc: {  	s13 =	sadd.s32 $0x1800, s6;
	s5 =	sor.u32 s4, s5;
	s4 =	ssub.s32 $0x2, s4  }
0xd: {  	_ =	strace $0x80000047;
	s8 =	sshll.u32 s5, $0xC;
	s9 =	sshrl.u32 s4, $0x1  }
0xe: {  	s24 =	sshll.u32 s5, $0x6;
	s3 =	sadd.s32 s8, s3;
	s4 =	ssub.s32 s4, s9  }
.Ltmp0:
0xf: {  	s8 =	sshll.u32 s5, $0xD;
	s0 =	sadd.s32 s0, s24;
	(pc) =	sbr.rel .LBB2_1-.Ltmp0, $4  }
0x10: {  	s24 =	simm.s32 $0x12A00;
	s5 =	simm.s32 $0x0;
	[dreg:$0x8] =	wrdreg s0  }
0x11: {  	s25 =	sadd.s32 $0x400, s3;
	s26 =	smax.u32 s4, $0x1;
	s0 =	simm.s32 $0x6  }
0x12: {  	s4 =	simm.s32 $0x7;
	s3 =	simm.s32 $0x8;
	[dreg:$0x9] =	wrdreg s25  }
0x13: {  	[dreg:$0xa] =	wrdreg s26;
	s25 =	simm.s32 $0x2;
	s26 =	simm.s32 $0x180  }
.LBB2_23:
0x14: {  	_ =	swait.ge [sflag:s4], $0x4000  }
0x15: {  	[sflag:s4] =	ssyncset.done $0x0  }
0x16: {  	[sflag:s4] =	ssyncadd.s32 $0xFFFFC000  }
0x17: {  	_ =	swait.ge [sflag:s3], $0x4000  }
0x18: {  	s5 =	sadd.s32 $0x1, s5;
	s9 =	rddreg [dreg:$0xa]  }
0x19: {  	p0 =	sne.s32 s5, s9  }
.Ltmp1:
0x1a: {  	_ = 	snop;
	(pc) =	sbr.rel @!p0 .LBB2_24-.Ltmp1, $3  }
0x1b: {  	_ =	sdelay $0x1  }
0x1c: {  	[sflag:s3] =	ssyncset.done $0x0  }
0x1d: {  	[sflag:s3] =	ssyncadd.s32 $0xFFFFC000  }
.LBB2_1:
0x1e: {  	s9 =	rddreg [dreg:$0x8];
	s10 =	simm.s32 $0x9  }
0x1f: {  	[tilespmem:s7], [sflag:$0x9] =	stream.linear.gather [hbm4b:s9+s7], $0x200, $0x38;
	[tilespmem:$0x1AA00] =	vst v63  }
0x20: {  	_ =	swait.ge [sflag:s10], $0x200  }
0x21: {  	[sflag:s10] =	ssyncset.done $0x0  }
0x22: {  	s14 =	simm.s32 $0x200;
	s18 =	rddreg [dreg:$0x9];
	[sflag:s10] =	ssyncadd.s32 $0xFFFFFE00  }
0x23: {  	[tilespmem:s14], [sflag:$0x9] =	stream.linear.gather [hbm4b:s18+s7], $0x8000, $0x38;
	[tilespmem:$0x1AA00] =	vst v63  }
0x24: {  	_ =	swait.ge [sflag:s10], $0x8000  }
0x25: {  	[sflag:s10] =	ssyncset.done $0x0  }
0x26: {  	[sflag:s10] =	ssyncadd.s32 $0xFFFF8000  }
0x27: {  	s16 =	simm.s32 $0x8200;
	s15 =	rddreg [dreg:$0x4]  }
0x28: {  	[tilespmem:s16], [sflag:$0x9] =	stream.linear.gather [hbm4b:s15+s7], $0x400, $0x38;
	[tilespmem:$0x1AA00] =	vst v63  }
0x29: {  	_ =	swait.ge [sflag:s10], $0x400  }
0x2a: {  	[sflag:s10] =	ssyncset.done $0x0  }
0x2b: {  	[sflag:s10] =	ssyncadd.s32 $0xFFFFFC00  }
0x2c: {  	s18 =	simm.s32 $0x8600;
	s17 =	rddreg [dreg:$0x5]  }
0x2d: {  	[tilespmem:s18], [sflag:$0x9] =	stream.linear.gather [hbm4b:s17+s7], $0x400, $0x38;
	[tilespmem:$0x1AA00] =	vst v63  }
0x2e: {  	_ =	swait.ge [sflag:s10], $0x400  }
0x2f: {  	[sflag:s10] =	ssyncset.done $0x0  }
0x30: {  	s18 =	sand.u32 $0x380, s7;
	[sflag:s10] =	ssyncadd.s32 $0xFFFFFC00  }
0x31: {  	s17 =	sand.u32 $0x380, s7;
	v0 =	vld [tilespmem:s18+$0x8200]  }
0x32: {  	v1 =	vld [tilespmem:s17+$0x8600];
	_ =	sdelay $0x4  }
0x33: {  	v0 =	vadd.f32 v1, v0  }
0x34: {  	s16 =	simm.s32 $0x8A40  }
0x35: {  	[tilespmem:s16+$0xFFFFFFC0] =	vst v0  }
0x36: {  	v0 =	vld [tilespmem:s18+$0x8210]  }
0x37: {  	v58 =	vld [tilespmem:s17+$0x8610];
	_ =	sdelay $0x4  }
0x38: {  	v0 =	vadd.f32 v58, v0;
	_ =	sdelay $0x1  }
0x39: {  	[tilespmem:s16+$0xFFFFFFD0] =	vst v0  }
0x3a: {  	v0 =	vld [tilespmem:s18+$0x8220]  }
0x3b: {  	v59 =	vld [tilespmem:s17+$0x8620];
	_ =	sdelay $0x4  }
0x3c: {  	v0 =	vadd.f32 v59, v0;
	_ =	sdelay $0x1  }
0x3d: {  	[tilespmem:s16+$0xFFFFFFE0] =	vst v0  }
0x3e: {  	v0 =	vld [tilespmem:s18+$0x8230]  }
0x3f: {  	v60 =	vld [tilespmem:s17+$0x8630];
	_ =	sdelay $0x4  }
0x40: {  	v0 =	vadd.f32 v60, v0;
	_ =	sdelay $0x1  }
0x41: {  	[tilespmem:s16+$0xFFFFFFF0] =	vst v0  }
0x42: {  	v0 =	vld [tilespmem:s18+$0x8240]  }
0x43: {  	v61 =	vld [tilespmem:s17+$0x8640];
	_ =	sdelay $0x4  }
0x44: {  	v0 =	vadd.f32 v61, v0;
	_ =	sdelay $0x1  }
0x45: {  	[tilespmem:s16+$0x0] =	vst v0  }
0x46: {  	v0 =	vld [tilespmem:s18+$0x8250]  }
0x47: {  	v62 =	vld [tilespmem:s17+$0x8650];
	_ =	sdelay $0x4  }
0x48: {  	v0 =	vadd.f32 v62, v0;
	_ =	sdelay $0x1  }
0x49: {  	[tilespmem:s16+$0x10] =	vst v0  }
0x4a: {  	v0 =	vld [tilespmem:s18+$0x8260]  }
0x4b: {  	v63 =	vld [tilespmem:s17+$0x8660];
	_ =	sdelay $0x4  }
0x4c: {  	v0 =	vadd.f32 v63, v0;
	_ =	sdelay $0x1  }
0x4d: {  	s9 =	simm.s32 $0x8A40;
	s14 =	simm.s32 $0x0;
	s10 =	simm.s32 $0x80;
	[tilespmem:s16+$0x20] =	vst v0  }
.LBB2_2:
0x4e: {  	p0 =	sne.s32 s10, $0x1F80;
	v0 =	vld [tilespmem:s18+$0x8270];
	s14 =	sadd.s32 $0x10, s14;
	s16 =	sadd.s32 $0x80, s16  }
0x4f: {  	v1 =	vld [tilespmem:s17+$0x8670];
	s17 =	smov.u32 s10;
	s10 =	sadd.s32 $0x80, s10;
	_ =	sdelay $0x4  }
0x50: {  	v0 =	vadd.f32 v1, v0;
	_ =	sdelay $0x1  }
0x51: {  	s18 =	sand.u32 $0x380, s14;
	s17 =	sand.u32 $0x380, s17;
	[tilespmem:s9+$0x30] =	vst v0;
	s9 =	smov.u32 s16  }
0x52: {  	v0 =	vld [tilespmem:s18+$0x8200]  }
0x53: {  	v1 =	vld [tilespmem:s17+$0x8600];
	_ =	sdelay $0x4  }
0x54: {  	v0 =	vadd.f32 v1, v0;
	_ =	sdelay $0x1  }
0x55: {  	[tilespmem:s16+$0xFFFFFFC0] =	vst v0  }
0x56: {  	v0 =	vld [tilespmem:s18+$0x8210]  }
0x57: {  	v1 =	vld [tilespmem:s17+$0x8610];
	_ =	sdelay $0x4  }
0x58: {  	v0 =	vadd.f32 v1, v0;
	_ =	sdelay $0x1  }
0x59: {  	[tilespmem:s16+$0xFFFFFFD0] =	vst v0  }
0x5a: {  	v0 =	vld [tilespmem:s18+$0x8220]  }
0x5b: {  	v1 =	vld [tilespmem:s17+$0x8620];
	_ =	sdelay $0x4  }
0x5c: {  	v0 =	vadd.f32 v1, v0;
	_ =	sdelay $0x1  }
0x5d: {  	[tilespmem:s16+$0xFFFFFFE0] =	vst v0  }
0x5e: {  	v0 =	vld [tilespmem:s18+$0x8230]  }
0x5f: {  	v1 =	vld [tilespmem:s17+$0x8630];
	_ =	sdelay $0x4  }
0x60: {  	v0 =	vadd.f32 v1, v0;
	_ =	sdelay $0x1  }
0x61: {  	[tilespmem:s16+$0xFFFFFFF0] =	vst v0  }
0x62: {  	v0 =	vld [tilespmem:s18+$0x8240]  }
0x63: {  	v1 =	vld [tilespmem:s17+$0x8640];
	_ =	sdelay $0x4  }
0x64: {  	v0 =	vadd.f32 v1, v0;
	_ =	sdelay $0x1  }
0x65: {  	[tilespmem:s16+$0x0] =	vst v0  }
0x66: {  	v0 =	vld [tilespmem:s18+$0x8250]  }
0x67: {  	v1 =	vld [tilespmem:s17+$0x8650];
	_ =	sdelay $0x4  }
0x68: {  	v0 =	vadd.f32 v1, v0;
	_ =	sdelay $0x1  }
0x69: {  	[tilespmem:s16+$0x10] =	vst v0  }
0x6a: {  	v0 =	vld [tilespmem:s18+$0x8260]  }
0x6b: {  	v1 =	vld [tilespmem:s17+$0x8660];
	_ =	sdelay $0x2  }
.Ltmp2:
0x6c: {  	(pc) =	sbr.rel @p0 .LBB2_2-.Ltmp2, $3  }
0x6d: {  	_ = 	snop  }
0x6e: {  	v0 =	vadd.f32 v1, v0;
	_ =	sdelay $0x1  }
0x6f: {  	[tilespmem:s16+$0x20] =	vst v0  }
0x70: {  	v0 =	vld [tilespmem:s18+$0x8270]  }
0x71: {  	v1 =	vld [tilespmem:s17+$0x8670];
	_ =	sdelay $0x4  }
0x72: {  	v0 =	vadd.f32 v1, v0  }
.Ltmp3:
0x73: {  	_ = 	snop;
	(pc) =	sbr.rel .LBB2_4-.Ltmp3, $4  }
0x74: {  	s16 =	simm.s32 $0x0;
	[tilespmem:s9+$0x30] =	vst v0  }
0x75: {  	[tilespmem:s20], [sflag:$0x1] =	stream.indirect.gather [hbm4b:s1+s19], $0x80, s16, s19, $0xb8;
	[tilespmem:$0x1AA00] =	vst v63  }
0x76: {  	_ = 	snop  }
0x77: {  	[tilespmem:s21], [sflag:$0x2] =	stream.indirect.gather [hbm4b:s1+s19], $0x80, s19, s19, $0xb8;
	[tilespmem:$0x1AA00] =	vst v63  }
.LBB2_22:
0x78: {  	s16 =	sadd.s32 $0x1, s16  }
0x79: {  	p0 =	sne.s32 s16, $0x41  }
.Ltmp4:
0x7a: {  	_ = 	snop;
	(pc) =	sbr.rel @!p0 .LBB2_23-.Ltmp4, $3  }
0x7b: {  	_ =	sdelay $0x1  }
0x7c: {  	s9 =	sadd.s32 s17, s13  }
0x7d: {  	[hbm4b:s9+s7] =	stream.linear.scatter [tilespmem:s28], [sflag:$0x8], $0x4000, $0x38;
	[tilespmem:$0x1AA00] =	vst v63  }
.LBB2_4:
0x7e: {  	p0 =	sne.s32 s16, $0x0  }
.Ltmp5:
0x7f: {  	_ = 	snop;
	(pc) =	sbr.rel @!p0 .LBB2_5-.Ltmp5, $4  }
0x80: {  	_ = 	snop  }
0x81: {  	_ =	swait.ge [sflag:s22], $0x4000  }
0x82: {  	[sflag:s22] =	ssyncset.done $0x0  }
0x83: {  	[sflag:s22] =	ssyncadd.s32 $0xFFFFC000  }
0x84: {  	_ =	swait.ge [sflag:s4], $0x4000;
	s9 =	sshll.u32 s16, $0x9  }
0x85: {  	[sflag:s4] =	ssyncset.done $0x0;
	s9 =	sand.u32 $0x3FFFFE00, s9  }
0x86: {  	s18 =	sshll.u32 s16, $0x7;
	[sflag:s4] =	ssyncadd.s32 $0xFFFFC000;
	s9 =	sor.u32 $0x100, s9  }
0x87: {  	[tilespmem:s24], [sflag:$0x3] =	stream.indirect.gather [hbm4b:s2+s19], $0x80, s9, s19, $0xb8;
	[tilespmem:$0x1AA00] =	vst v63  }
0x88: {  	s9 =	sand.u32 $0x3FFFFF80, s18  }
0x89: {  	v6 =	vld [tilespmem:s9+$0x8980]  }
0x8a: {  	v7 =	vld [tilespmem:s9+$0x8990]  }
0x8b: {  	v5 =	vld [tilespmem:s9+$0x89A0]  }
0x8c: {  	v4 =	vld [tilespmem:s9+$0x89B0]  }
0x8d: {  	v3 =	vld [tilespmem:s9+$0x89C0]  }
0x8e: {  	v2 =	vld [tilespmem:s9+$0x89D0]  }
0x8f: {  	v1 =	vld [tilespmem:s9+$0x89E0]  }
0x90: {  	v0 =	vld [tilespmem:s9+$0x89F0];
	s9 =	simm.s32 $0x0  }
0x91: {  	v11 =	vld [tilespmem:s9+$0xAA00]  }
0x92: {  	v13 =	vld [tilespmem:s9+$0xAA10]  }
0x93: {  	v12 =	vld [tilespmem:s9+$0xAA20]  }
0x94: {  	v10 =	vld [tilespmem:s9+$0xAA30]  }
0x95: {  	v8 =	vld [tilespmem:s9+$0xAA40]  }
0x96: {  	v9 =	vld [tilespmem:s9+$0xAA50];
	v14 =	vadd.f32 v11, v6  }
0x97: {  	s10 =	simm.s32 $0x200;
	v13 =	vadd.f32 v13, v7;
	v11 =	vld [tilespmem:s9+$0xAA60]  }
.LBB2_7:
0x98: {  	s14 =	sshra.s32 s10, $0x2;
	p1 =	sne.s32 s10, $0xFE00;
	[tilespmem:s9+$0xAA00] =	vst v14;
	v12 =	vadd.f32 v12, v5;
	v14 =	vld [tilespmem:s9+$0xAA70]  }
0x99: {  	v15 =	vld [tilespmem:s14+$0xAA00];
	[tilespmem:s9+$0xAA10] =	vst v13;
	v10 =	vadd.f32 v10, v4  }
0x9a: {  	v13 =	vld [tilespmem:s14+$0xAA10];
	[tilespmem:s9+$0xAA20] =	vst v12;
	v8 =	vadd.f32 v8, v3  }
.Ltmp6:
0x9b: {  	v12 =	vld [tilespmem:s14+$0xAA20];
	[tilespmem:s9+$0xAA30] =	vst v10;
	v9 =	vadd.f32 v9, v2;
	(pc) =	sbr.rel @p1 .LBB2_7-.Ltmp6, $4  }
0x9c: {  	v10 =	vld [tilespmem:s14+$0xAA30];
	[tilespmem:s9+$0xAA40] =	vst v8;
	v11 =	vadd.f32 v11, v1  }
0x9d: {  	v8 =	vld [tilespmem:s14+$0xAA40];
	[tilespmem:s9+$0xAA50] =	vst v9;
	v16 =	vadd.f32 v14, v0  }
0x9e: {  	v14 =	vadd.f32 v15, v6;
	v9 =	vld [tilespmem:s14+$0xAA50];
	[tilespmem:s9+$0xAA60] =	vst v11  }
0x9f: {  	s10 =	sadd.s32 $0x200, s10;
	v13 =	vadd.f32 v13, v7;
	v11 =	vld [tilespmem:s14+$0xAA60];
	[tilespmem:s9+$0xAA70] =	vst v16;
	s9 =	smov.u32 s14  }
0xa0: {  	[tilespmem:s9+$0xAA00] =	vst v14;
	v5 =	vadd.f32 v12, v5;
	v6 =	vld [tilespmem:s9+$0xAA70]  }
0xa1: {  	[tilespmem:s9+$0xAA10] =	vst v13;
	v4 =	vadd.f32 v10, v4  }
0xa2: {  	[tilespmem:s9+$0xAA20] =	vst v5;
	v3 =	vadd.f32 v8, v3  }
.Ltmp7:
0xa3: {  	[tilespmem:s9+$0xAA30] =	vst v4;
	v2 =	vadd.f32 v9, v2;
	(pc) =	sbr.rel .LBB2_9-.Ltmp7, $4  }
0xa4: {  	[tilespmem:s9+$0xAA40] =	vst v3;
	v1 =	vadd.f32 v11, v1  }
0xa5: {  	[tilespmem:s9+$0xAA50] =	vst v2;
	v0 =	vadd.f32 v6, v0  }
0xa6: {  	[tilespmem:s9+$0xAA60] =	vst v1  }
0xa7: {  	[tilespmem:s9+$0xAA70] =	vst v0  }
.LBB2_5:
0xa8: {  	[tilespmem:s24], [sflag:$0x3] =	stream.indirect.gather [hbm4b:s1+s19], $0x80, s23, s19, $0xb8;
	[tilespmem:$0x1AA00] =	vst v63  }
.LBB2_9:
0xa9: {  	s9 =	sshll.u32 s16, $0x12  }
0xaa: {  	s17 =	sor.u32 s8, s9  }
.Ltmp8:
0xab: {  	s9 =	sadd.s32 s6, s17;
	(pc) =	sbr.rel @!p0 .LBB2_10-.Ltmp8, $4  }
0xac: {  	[hbm4b:s9+s7] =	stream.linear.scatter [tilespmem:s20], [sflag:$0x5], $0x4000, $0x38;
	[tilespmem:$0x1AA00] =	vst v63  }
0xad: {  	_ =	swait.ge [sflag:s25], $0x4000  }
0xae: {  	[sflag:s25] =	ssyncset.done $0x0  }
0xaf: {  	[sflag:s25] =	ssyncadd.s32 $0xFFFFC000  }
0xb0: {  	_ =	swait.ge [sflag:s3], $0x4000;
	s9 =	sshll.u32 s16, $0x9  }
0xb1: {  	[sflag:s3] =	ssyncset.done $0x0;
	s9 =	sand.u32 $0x3FFFFE00, s9  }
0xb2: {  	s18 =	sshll.u32 s16, $0x7;
	[sflag:s3] =	ssyncadd.s32 $0xFFFFC000;
	s9 =	sor.u32 $0x180, s9  }
0xb3: {  	[tilespmem:s28], [sflag:$0x4] =	stream.indirect.gather [hbm4b:s2+s19], $0x80, s9, s19, $0xb8;
	[tilespmem:$0x1AA00] =	vst v63  }
0xb4: {  	s9 =	sand.u32 $0x3FFFFF80, s18  }
0xb5: {  	v6 =	vld [tilespmem:s9+$0x8980]  }
0xb6: {  	v7 =	vld [tilespmem:s9+$0x8990]  }
0xb7: {  	v5 =	vld [tilespmem:s9+$0x89A0]  }
0xb8: {  	v4 =	vld [tilespmem:s9+$0x89B0]  }
0xb9: {  	v3 =	vld [tilespmem:s9+$0x89C0]  }
0xba: {  	v2 =	vld [tilespmem:s9+$0x89D0]  }
0xbb: {  	v1 =	vld [tilespmem:s9+$0x89E0]  }
0xbc: {  	v0 =	vld [tilespmem:s9+$0x89F0];
	s9 =	simm.s32 $0x0  }
0xbd: {  	v11 =	vld [tilespmem:s9+$0xEA00]  }
0xbe: {  	v13 =	vld [tilespmem:s9+$0xEA10]  }
0xbf: {  	v12 =	vld [tilespmem:s9+$0xEA20]  }
0xc0: {  	v10 =	vld [tilespmem:s9+$0xEA30]  }
0xc1: {  	v8 =	vld [tilespmem:s9+$0xEA40]  }
0xc2: {  	v9 =	vld [tilespmem:s9+$0xEA50];
	v14 =	vadd.f32 v11, v6  }
0xc3: {  	s10 =	simm.s32 $0x200;
	v13 =	vadd.f32 v13, v7;
	v11 =	vld [tilespmem:s9+$0xEA60]  }
.LBB2_12:
0xc4: {  	s14 =	sshra.s32 s10, $0x2;
	p0 =	sne.s32 s10, $0xFE00;
	[tilespmem:s9+$0xEA00] =	vst v14;
	v12 =	vadd.f32 v12, v5;
	v14 =	vld [tilespmem:s9+$0xEA70]  }
0xc5: {  	v15 =	vld [tilespmem:s14+$0xEA00];
	[tilespmem:s9+$0xEA10] =	vst v13;
	v10 =	vadd.f32 v10, v4  }
0xc6: {  	v13 =	vld [tilespmem:s14+$0xEA10];
	[tilespmem:s9+$0xEA20] =	vst v12;
	v8 =	vadd.f32 v8, v3  }
.Ltmp9:
0xc7: {  	v12 =	vld [tilespmem:s14+$0xEA20];
	[tilespmem:s9+$0xEA30] =	vst v10;
	v9 =	vadd.f32 v9, v2;
	(pc) =	sbr.rel @p0 .LBB2_12-.Ltmp9, $4  }
0xc8: {  	v10 =	vld [tilespmem:s14+$0xEA30];
	[tilespmem:s9+$0xEA40] =	vst v8;
	v11 =	vadd.f32 v11, v1  }
0xc9: {  	v8 =	vld [tilespmem:s14+$0xEA40];
	[tilespmem:s9+$0xEA50] =	vst v9;
	v16 =	vadd.f32 v14, v0  }
0xca: {  	v14 =	vadd.f32 v15, v6;
	v9 =	vld [tilespmem:s14+$0xEA50];
	[tilespmem:s9+$0xEA60] =	vst v11  }
0xcb: {  	s10 =	sadd.s32 $0x200, s10;
	v13 =	vadd.f32 v13, v7;
	v11 =	vld [tilespmem:s14+$0xEA60];
	[tilespmem:s9+$0xEA70] =	vst v16;
	s9 =	smov.u32 s14  }
0xcc: {  	[tilespmem:s9+$0xEA00] =	vst v14;
	v5 =	vadd.f32 v12, v5;
	v6 =	vld [tilespmem:s9+$0xEA70]  }
0xcd: {  	[tilespmem:s9+$0xEA10] =	vst v13;
	v4 =	vadd.f32 v10, v4  }
0xce: {  	[tilespmem:s9+$0xEA20] =	vst v5;
	v3 =	vadd.f32 v8, v3  }
.Ltmp10:
0xcf: {  	[tilespmem:s9+$0xEA30] =	vst v4;
	v2 =	vadd.f32 v9, v2;
	(pc) =	sbr.rel .LBB2_14-.Ltmp10, $4  }
0xd0: {  	[tilespmem:s9+$0xEA40] =	vst v3;
	v1 =	vadd.f32 v11, v1  }
0xd1: {  	[tilespmem:s9+$0xEA50] =	vst v2;
	v0 =	vadd.f32 v6, v0  }
0xd2: {  	[tilespmem:s9+$0xEA60] =	vst v1  }
0xd3: {  	[tilespmem:s9+$0xEA70] =	vst v0  }
.LBB2_10:
0xd4: {  	[tilespmem:s28], [sflag:$0x4] =	stream.indirect.gather [hbm4b:s1+s19], $0x80, s26, s19, $0xb8;
	[tilespmem:$0x1AA00] =	vst v63  }
.LBB2_14:
0xd5: {  	s9 =	sadd.s32 s17, s11;
	p0 =	sgt.u32 s16, $0x3F  }
0xd6: {  	[hbm4b:s9+s7] =	stream.linear.scatter [tilespmem:s21], [sflag:$0x6], $0x4000, $0x38;
	[tilespmem:$0x1AA00] =	vst v63  }
0xd7: {  	p1 =	seq.s32 @!p0 s16, $0x0;
	_ =	swait.ge [sflag:s29], $0x4000  }
0xd8: {  	p1 =	por p0, !p1;
	[sflag:s29] =	ssyncset.done $0x0  }
.Ltmp11:
0xd9: {  	[sflag:s29] =	ssyncadd.s32 $0xFFFFC000;
	(pc) =	sbr.rel @!p1 .LBB2_18-.Ltmp11, $4  }
0xda: {  	s9 =	sshll.u32 @!p0 s16, $0x9;
	_ =	swait.ge [sflag:s30], $0x4000  }
0xdb: {  	s10 =	simm.s32 @!p0 $0x80;
	s9 =	sand.u32 @!p0 $0x3FFFFE00, s9;
	[sflag:s30] =	ssyncset.done $0x0  }
0xdc: {  	s18 =	simm.s32 @!p0 $0xAA00;
	s14 =	sadd.s32 @!p0 $0x200, s9;
	[sflag:s30] =	ssyncadd.s32 $0xFFFFC000  }
0xdd: {  	[tilespmem:s18], [sflag:$0x1] =	stream.indirect.gather @!p0 [hbm4b:s2+s10], $0x80, s14, s10, $0xb8;
	[tilespmem:$0x1AA00] =	vst v63  }
0xde: {  	s14 =	sshll.u32 s16, $0x7  }
0xdf: {  	s14 =	sand.u32 $0x3FFFFF80, s14  }
0xe0: {  	v6 =	vld [tilespmem:s14+$0x8980]  }
0xe1: {  	v7 =	vld [tilespmem:s14+$0x8990]  }
0xe2: {  	v5 =	vld [tilespmem:s14+$0x89A0]  }
0xe3: {  	v4 =	vld [tilespmem:s14+$0x89B0]  }
0xe4: {  	v3 =	vld [tilespmem:s14+$0x89C0]  }
0xe5: {  	v2 =	vld [tilespmem:s14+$0x89D0]  }
0xe6: {  	v1 =	vld [tilespmem:s14+$0x89E0]  }
0xe7: {  	v0 =	vld [tilespmem:s14+$0x89F0];
	s14 =	simm.s32 $0x0  }
0xe8: {  	v11 =	vld [tilespmem:s14+$0x12A00]  }
0xe9: {  	v13 =	vld [tilespmem:s14+$0x12A10]  }
0xea: {  	v12 =	vld [tilespmem:s14+$0x12A20]  }
0xeb: {  	v10 =	vld [tilespmem:s14+$0x12A30]  }
0xec: {  	v8 =	vld [tilespmem:s14+$0x12A40]  }
0xed: {  	v9 =	vld [tilespmem:s14+$0x12A50];
	v14 =	vadd.f32 v11, v6  }
0xee: {  	s18 =	simm.s32 $0x200;
	v13 =	vadd.f32 v13, v7;
	v11 =	vld [tilespmem:s14+$0x12A60]  }
.LBB2_16:
0xef: {  	s15 =	sshra.s32 s18, $0x2;
	p2 =	sne.s32 s18, $0xFE00;
	[tilespmem:s14+$0x12A00] =	vst v14;
	v12 =	vadd.f32 v12, v5;
	v14 =	vld [tilespmem:s14+$0x12A70]  }
0xf0: {  	v15 =	vld [tilespmem:s15+$0x12A00];
	[tilespmem:s14+$0x12A10] =	vst v13;
	v10 =	vadd.f32 v10, v4  }
0xf1: {  	v13 =	vld [tilespmem:s15+$0x12A10];
	[tilespmem:s14+$0x12A20] =	vst v12;
	v8 =	vadd.f32 v8, v3  }
.Ltmp12:
0xf2: {  	v12 =	vld [tilespmem:s15+$0x12A20];
	[tilespmem:s14+$0x12A30] =	vst v10;
	v9 =	vadd.f32 v9, v2;
	(pc) =	sbr.rel @p2 .LBB2_16-.Ltmp12, $4  }
0xf3: {  	v10 =	vld [tilespmem:s15+$0x12A30];
	[tilespmem:s14+$0x12A40] =	vst v8;
	v11 =	vadd.f32 v11, v1  }
0xf4: {  	v8 =	vld [tilespmem:s15+$0x12A40];
	[tilespmem:s14+$0x12A50] =	vst v9;
	v16 =	vadd.f32 v14, v0  }
0xf5: {  	v14 =	vadd.f32 v15, v6;
	v9 =	vld [tilespmem:s15+$0x12A50];
	[tilespmem:s14+$0x12A60] =	vst v11  }
0xf6: {  	s18 =	sadd.s32 $0x200, s18;
	v13 =	vadd.f32 v13, v7;
	v11 =	vld [tilespmem:s15+$0x12A60];
	[tilespmem:s14+$0x12A70] =	vst v16;
	s14 =	smov.u32 s15  }
0xf7: {  	[tilespmem:s14+$0x12A00] =	vst v14;
	v5 =	vadd.f32 v12, v5;
	v6 =	vld [tilespmem:s14+$0x12A70]  }
0xf8: {  	[tilespmem:s14+$0x12A10] =	vst v13;
	v4 =	vadd.f32 v10, v4  }
0xf9: {  	[tilespmem:s14+$0x12A20] =	vst v5;
	v3 =	vadd.f32 v8, v3  }
0xfa: {  	[tilespmem:s14+$0x12A30] =	vst v4;
	v2 =	vadd.f32 v9, v2  }
0xfb: {  	[tilespmem:s14+$0x12A40] =	vst v3;
	v1 =	vadd.f32 v11, v1  }
0xfc: {  	[tilespmem:s14+$0x12A50] =	vst v2;
	v0 =	vadd.f32 v6, v0  }
0xfd: {  	[tilespmem:s14+$0x12A60] =	vst v1  }
0xfe: {  	[tilespmem:s14+$0x12A70] =	vst v0  }
.LBB2_18:
0xff: {  	s14 =	sadd.s32 s17, s12  }
0x100: {  	[hbm4b:s14+s7] =	stream.linear.scatter [tilespmem:s24], [sflag:$0x7], $0x4000, $0x38;
	[tilespmem:$0x1AA00] =	vst v63  }
0x101: {  	_ =	swait.ge [sflag:s31], $0x4000  }
0x102: {  	[sflag:s31] =	ssyncset.done $0x0  }
.Ltmp13:
0x103: {  	[sflag:s31] =	ssyncadd.s32 $0xFFFFC000;
	(pc) =	sbr.rel @!p1 .LBB2_22-.Ltmp13, $4  }
0x104: {  	_ =	swait.ge [sflag:s0], $0x4000  }
0x105: {  	[sflag:s0] =	ssyncset.done $0x0  }
0x106: {  	s9 =	sadd.s32 @!p0 $0x280, s9;
	s14 =	simm.s32 @!p0 $0xEA00;
	[sflag:s0] =	ssyncadd.s32 $0xFFFFC000  }
0x107: {  	[tilespmem:s14], [sflag:$0x2] =	stream.indirect.gather @!p0 [hbm4b:s2+s10], $0x80, s9, s10, $0xb8;
	[tilespmem:$0x1AA00] =	vst v63  }
0x108: {  	s9 =	sshll.u32 s16, $0x7  }
0x109: {  	s9 =	sand.u32 $0x3FFFFF80, s9  }
0x10a: {  	v6 =	vld [tilespmem:s9+$0x8980]  }
0x10b: {  	v7 =	vld [tilespmem:s9+$0x8990]  }
0x10c: {  	v5 =	vld [tilespmem:s9+$0x89A0]  }
0x10d: {  	v4 =	vld [tilespmem:s9+$0x89B0]  }
0x10e: {  	v3 =	vld [tilespmem:s9+$0x89C0]  }
0x10f: {  	v2 =	vld [tilespmem:s9+$0x89D0]  }
0x110: {  	v1 =	vld [tilespmem:s9+$0x89E0]  }
0x111: {  	v0 =	vld [tilespmem:s9+$0x89F0];
	s9 =	simm.s32 $0x0  }
0x112: {  	v11 =	vld [tilespmem:s9+$0x16A00]  }
0x113: {  	v13 =	vld [tilespmem:s9+$0x16A10]  }
0x114: {  	v12 =	vld [tilespmem:s9+$0x16A20]  }
0x115: {  	v10 =	vld [tilespmem:s9+$0x16A30]  }
0x116: {  	v8 =	vld [tilespmem:s9+$0x16A40]  }
0x117: {  	v9 =	vld [tilespmem:s9+$0x16A50];
	v14 =	vadd.f32 v11, v6  }
0x118: {  	s10 =	simm.s32 $0x200;
	v13 =	vadd.f32 v13, v7;
	v11 =	vld [tilespmem:s9+$0x16A60]  }
.LBB2_20:
0x119: {  	s14 =	sshra.s32 s10, $0x2;
	p0 =	sne.s32 s10, $0xFE00;
	[tilespmem:s9+$0x16A00] =	vst v14;
	v12 =	vadd.f32 v12, v5;
	v14 =	vld [tilespmem:s9+$0x16A70]  }
0x11a: {  	v15 =	vld [tilespmem:s14+$0x16A00];
	[tilespmem:s9+$0x16A10] =	vst v13;
	v10 =	vadd.f32 v10, v4  }
0x11b: {  	v13 =	vld [tilespmem:s14+$0x16A10];
	[tilespmem:s9+$0x16A20] =	vst v12;
	v8 =	vadd.f32 v8, v3  }
.Ltmp14:
0x11c: {  	v12 =	vld [tilespmem:s14+$0x16A20];
	[tilespmem:s9+$0x16A30] =	vst v10;
	v9 =	vadd.f32 v9, v2;
	(pc) =	sbr.rel @p0 .LBB2_20-.Ltmp14, $4  }
0x11d: {  	v10 =	vld [tilespmem:s14+$0x16A30];
	[tilespmem:s9+$0x16A40] =	vst v8;
	v11 =	vadd.f32 v11, v1  }
0x11e: {  	v8 =	vld [tilespmem:s14+$0x16A40];
	[tilespmem:s9+$0x16A50] =	vst v9;
	v16 =	vadd.f32 v14, v0  }
0x11f: {  	v14 =	vadd.f32 v15, v6;
	v9 =	vld [tilespmem:s14+$0x16A50];
	[tilespmem:s9+$0x16A60] =	vst v11  }
0x120: {  	s10 =	sadd.s32 $0x200, s10;
	v13 =	vadd.f32 v13, v7;
	v11 =	vld [tilespmem:s14+$0x16A60];
	[tilespmem:s9+$0x16A70] =	vst v16;
	s9 =	smov.u32 s14  }
0x121: {  	[tilespmem:s9+$0x16A00] =	vst v14;
	v5 =	vadd.f32 v12, v5;
	v6 =	vld [tilespmem:s9+$0x16A70]  }
0x122: {  	[tilespmem:s9+$0x16A10] =	vst v13;
	v4 =	vadd.f32 v10, v4  }
0x123: {  	[tilespmem:s9+$0x16A20] =	vst v5;
	v3 =	vadd.f32 v8, v3  }
.Ltmp15:
0x124: {  	[tilespmem:s9+$0x16A30] =	vst v4;
	v2 =	vadd.f32 v9, v2;
	(pc) =	sbr.rel .LBB2_22-.Ltmp15, $4  }
0x125: {  	[tilespmem:s9+$0x16A40] =	vst v3;
	v1 =	vadd.f32 v11, v1  }
0x126: {  	[tilespmem:s9+$0x16A50] =	vst v2;
	v0 =	vadd.f32 v6, v0  }
0x127: {  	[tilespmem:s9+$0x16A60] =	vst v1  }
0x128: {  	[tilespmem:s9+$0x16A70] =	vst v0  }
.LBB2_24:
0x129: {  	_ =	sfence.sel $0x180000  }
0x12a: {  	[bflag:$0x0] =	sbarrier.arrive $0xFFFF  }
0x12b: {  	_ =	strace $0x90000047  }
0x12c: {  	s0 =	stileid.u32;
	[bflag:$0x2] =	sbarrier.arrive $0xFFFF  }
0x12d: {  	p0 =	sne.s32 s0, $0x0;
	s0 =	rddreg [dreg:$0x7]  }
0x12e: {  	s0 =	sadd.s32 @!p0 $0x100000, s0  }
0x12f: {  	[sflag:s0] =	ssyncadd.tile.s32 @!p0 $0x1;
	_ =	shalt  }
.Lfunc_end2:
_tile_overlayer_lowered:
.L_overlay_start_2:
0x130: {  	(tag) =	ssettag $0x2  }
0x131: {  	s0 =	rddreg [dreg:$0x0];
	s2 =	stileid.u32  }
0x132: {  	s1 =	rddreg [dreg:$0x1];
	p0 =	sne.s32 s2, $0x0  }
0x133: {  	s3 =	rddreg [dreg:$0x2];
	[bflag:$0x3] =	sbarrier.arrive $0xFFFF;
	s2 =	simm.s32 @!p0 $0x1C09  }
0x134: {  	[timem:s3], [sflag:s2] =	dma.local @!p0 [hbm:s0], s1  }
0x135: {  	s0 =	simm.s32 @!p0 $0x9  }
0x136: {  	_ =	swait.ge @!p0 [sflag:s0], s1  }
0x137: {  	s1 =	ssub.s32 @!p0 $0x0, s1;
	[sflag:s0] =	ssyncset.done @!p0 $0x0  }
0x138: {  	[sflag:s0] =	ssyncadd.s32 @!p0 s1  }
0x139: {  	[bflag:$0x3] =	sbarrier.arrive $0xFFFF  }
0x13a: {  	_ =	shalt  }

</sc_bundles>
